<compile_context>
chip_gen: v7x
topology: tpu7x:2x2x1
jax: 0.10.2.dev20260603
libtpu: 0.0.44.dev20260713+nightly
codegen_flags: <defaults>
</compile_context>

<pallas_src>
import functools

import jax
import jax.numpy as jnp
from jax import lax
from jax.experimental import pallas as pl
from jax.experimental.pallas import tpu as pltpu
from jax.experimental.pallas import tpu_sc as plsc

_NC = 2
_NS = 16


@functools.lru_cache(maxsize=None)
def _build(seq: int, nb: int, dim: int, vocab: int):
    half = nb // _NC
    n_full = seq // _NS
    rem = seq - n_full * _NS

    def body(xt_hbm, et_hbm, out_hbm, idx0, idx1, g0, g1, spm,
             sem_i0, sem_i1, sem_g0, sem_g1, sem_w0, sem_w1):
        ci = lax.axis_index("c")
        si = lax.axis_index("s")
        b0 = ci * half
        idxb = (idx0, idx1)
        gb = (g0, g1)
        sem_i = (sem_i0, sem_i1)
        sem_g = (sem_g0, sem_g1)
        sem_w = (sem_w0, sem_w1)

        nr = n_full + jnp.where(si < rem, 1, 0)

        def row_of(k):
            return si + k * _NS

        def idx_start(k, p):
            pltpu.async_copy(xt_hbm.at[row_of(k), pl.ds(b0, half)],
                             idxb[p], sem_i[p])

        def idx_wait(k, p):
            pltpu.make_async_copy(xt_hbm.at[row_of(k), pl.ds(b0, half)],
                                  idxb[p], sem_i[p]).wait()

        def w_start(c, k, p):
            pltpu.async_copy(gb[p], out_hbm.at[row_of(k), c, pl.ds(b0, half)],
                             sem_w[p])

        def w_wait(c, k, p):
            pltpu.make_async_copy(gb[p],
                                  out_hbm.at[row_of(k), c, pl.ds(b0, half)],
                                  sem_w[p]).wait()

        @pl.loop(0, dim)
        def _(c):
            @pl.when(si == 0)
            def _():
                pltpu.sync_copy(et_hbm.at[c], spm)

            plsc.subcore_barrier()

            idx_start(0, 0)
            for k in range(n_full + 1):
                p = k % 2

                @pl.when(k < nr)
                def _():
                    idx_wait(k, p)

                    @pl.when(k + 1 < nr)
                    def _():
                        idx_start(k + 1, 1 - p)

                    pltpu.async_copy(spm.at[idxb[p]], gb[p], sem_g[p])
                    pltpu.make_async_copy(spm.at[idxb[p]], gb[p],
                                          sem_g[p]).wait()

                    @pl.when(k >= 2)
                    def _():
                        w_wait(c, k - 2, p)

                    w_start(c, k, p)

            for k in (n_full - 1, n_full):
                @pl.when(k == nr - 1)
                def _():
                    w_wait(c, k - 1, (k - 1) % 2)
                    w_wait(c, k, k % 2)

            plsc.subcore_barrier()

    return pl.kernel(
        body,
        out_type=jax.ShapeDtypeStruct((seq, dim, nb), jnp.float32),
        compiler_params=pltpu.CompilerParams(use_tc_tiling_on_sc=True),
        mesh=plsc.VectorSubcoreMesh(core_axis_name="c", subcore_axis_name="s"),
        scratch_types=[
            pltpu.VMEM((half,), jnp.int32),
            pltpu.VMEM((half,), jnp.int32),
            pltpu.VMEM((half,), jnp.float32),
            pltpu.VMEM((half,), jnp.float32),
            pltpu.VMEM_SHARED((vocab,), jnp.float32),
            pltpu.SemaphoreType.DMA,
            pltpu.SemaphoreType.DMA,
            pltpu.SemaphoreType.DMA,
            pltpu.SemaphoreType.DMA,
            pltpu.SemaphoreType.DMA,
            pltpu.SemaphoreType.DMA,
        ],
    )


def kernel(x, emb_weight):
    vocab, dim = emb_weight.shape
    nb, seq = x.shape
    xt = x.T
    et = emb_weight.T
    out_t = _build(seq, nb, dim, vocab)(xt, et)
    return (jnp.transpose(out_t, (2, 0, 1)), 0.0)

# --- scband reference (transcript-rebuilt; emitter-appended) ---
"""Pipeline reference for scband-class-embedding-27230092657717 (READ-ONLY COPY).

The authoritative reference and input builder live on the scoring server;
editing this copy changes nothing except your own understanding.
"""

import jax, jax.numpy as jnp
import numpy as np

NUM_CLASSES = 1000000
EMB_DIM = 32

def setup_inputs(seed: int = 0) -> dict:
    key = jax.random.key(seed)
    k1, k2 = jax.random.split(key)
    x = jax.random.randint(k1, (16384, 200), 0, NUM_CLASSES, dtype=jnp.int64) if jax.config.jax_enable_x64 else jax.random.randint(k1, (16384, 200), 0, NUM_CLASSES, dtype=jnp.int32)
    emb_weight = jax.random.normal(k2, (NUM_CLASSES, EMB_DIM), dtype=jnp.float32)
    return {"x": x, "emb_weight": emb_weight}

def reference(x, emb_weight):
    # ClassEmbedding.forward: returns (self.emb(x), 0.0)
    out = jnp.take(emb_weight, x, axis=0)
    return (out, 0.0)

if __name__ == "__main__":
    import jax
    _d = setup_inputs()
    print(jax.jit(kernel)(*tuple(_d.values())))

</pallas_src>

<mosaic_0001>
#map = affine_map<(d0, d1) -> (0, 0)>
#map1 = affine_map<(d0, d1) -> (0, 0, 0)>
module attributes {stable_mosaic.version = 14 : i64} {
  func.func @body(%arg0: i32, %arg1: i32, %arg2: memref<200x16384xi32, #tpu.memory_space<hbm>>, %arg3: memref<32x1000000xf32, #tpu.memory_space<hbm>>, %arg4: memref<200x32x16384xf32, #tpu.memory_space<hbm>>, %arg5: memref<8192xi32, #tpu.memory_space<vmem>>, %arg6: memref<8192xi32, #tpu.memory_space<vmem>>, %arg7: memref<8192xf32, #tpu.memory_space<vmem>>, %arg8: memref<8192xf32, #tpu.memory_space<vmem>>, %arg9: memref<1000000xf32, #tpu.memory_space<vmem_shared>>, %arg10: memref<!tpu.dma_semaphore, #tpu.memory_space<semaphore_mem>>, %arg11: memref<!tpu.dma_semaphore, #tpu.memory_space<semaphore_mem>>, %arg12: memref<!tpu.dma_semaphore, #tpu.memory_space<semaphore_mem>>, %arg13: memref<!tpu.dma_semaphore, #tpu.memory_space<semaphore_mem>>, %arg14: memref<!tpu.dma_semaphore, #tpu.memory_space<semaphore_mem>>, %arg15: memref<!tpu.dma_semaphore, #tpu.memory_space<semaphore_mem>>) attributes {dimension_semantics = [#tpu.dimension_semantics<core_parallel>, #tpu.dimension_semantics<subcore_parallel>], iteration_bounds = array<i64: 2, 16>, scalar_prefetch = 0 : i64, scratch_operands = 11 : i64, tpu.core_type = #tpu.core_type<sc_vector_subcore>, window_params = [{transform_indices = #map}, {transform_indices = #map}, {transform_indices = #map1}]} {
    %mul3A = arith.constant 8192 : i32
    %mul3A_0 = arith.muli %arg0, %mul3A : i32
    %lt3A = arith.constant 8 : i32
    %lt3A_1 = arith.cmpi slt, %arg1, %lt3A : i32
    %jit3A = arith.constant 1 : i32
    %jit3A_2 = arith.constant 0 : i32
    %select_n3A = arith.select %lt3A_1, %jit3A, %jit3A_2 : i32
    %add3A = arith.constant 12 : i32
    %add3A_3 = arith.addi %add3A, %select_n3A : i32
    %scan3A = arith.constant 0 : i32
    %scan3A_4 = arith.constant 32 : i32
    %scan3A_5 = arith.addi %scan3A, %scan3A_4 : i32
    %scan3A_6 = arith.constant 1 : i32
    scf.for %scan3A_8 = %scan3A to %scan3A_5 step %scan3A_6  : i32 {
      %mul3A_9 = arith.constant 1 : i32
      %mul3A_10 = arith.muli %scan3A_8, %mul3A_9 : i32
      %add3A_11 = arith.constant 0 : i32
      %add3A_12 = arith.addi %add3A_11, %mul3A_10 : i32
      %eq3A = arith.constant 0 : i32
      %eq3A_13 = arith.cmpi eq, %arg1, %eq3A : i32
      %convert_element_type3A = arith.extui %eq3A_13 : i1 to i32
      %cond3A = arith.constant 0 : i32
      %cond3A_14 = arith.cmpi ne, %convert_element_type3A, %cond3A : i32
      scf.if %cond3A_14 {
        "tpu.region"() ({
          %run_scoped3A = tpu.sem_alloc : memref<!tpu.dma_semaphore, #tpu.memory_space<semaphore_mem>>
          %dma_start3A_98 = arith.constant 0 : i32
          %dma_start3A_99 = tpu.memref_slice %arg3[%add3A_12, %dma_start3A_98] : memref<32x1000000xf32, #tpu.memory_space<hbm>> -> memref<1x1000000xf32, #tpu.memory_space<hbm>>
          %dma_start3A_100 = tpu.memref_squeeze %dma_start3A_99 : memref<1x1000000xf32, #tpu.memory_space<hbm>> -> memref<1000000xf32, #tpu.memory_space<hbm>>
          tpu.enqueue_dma source(%dma_start3A_100 : memref<1000000xf32, #tpu.memory_space<hbm>>) target(%arg9 : memref<1000000xf32, #tpu.memory_space<vmem_shared>>) target_semaphore(%run_scoped3A : memref<!tpu.dma_semaphore, #tpu.memory_space<semaphore_mem>>)
          %dma_wait3A = arith.constant 0 : i32
          %dma_wait3A_101 = tpu.memref_slice %arg3[%add3A_12, %dma_wait3A] : memref<32x1000000xf32, #tpu.memory_space<hbm>> -> memref<1x1000000xf32, #tpu.memory_space<hbm>>
          %dma_wait3A_102 = tpu.memref_squeeze %dma_wait3A_101 : memref<1x1000000xf32, #tpu.memory_space<hbm>> -> memref<1000000xf32, #tpu.memory_space<hbm>>
          tpu.wait_dma2 semaphore(%run_scoped3A : memref<!tpu.dma_semaphore, #tpu.memory_space<semaphore_mem>>) src(%dma_wait3A_102 : memref<1000000xf32, #tpu.memory_space<hbm>>) dst(%arg9 : memref<1000000xf32, #tpu.memory_space<vmem_shared>>)
          tpu.yield
        }) : () -> ()
      } else {
      }
      %barrier3A = arith.constant 0 : index
      tpu.barrier barrier_id(%barrier3A)
      %add3A_15 = arith.constant 0 : i32
      %add3A_16 = arith.addi %arg1, %add3A_15 : i32
      %dma_start3A = tpu.memref_slice %arg2[%add3A_16, %mul3A_0] : memref<200x16384xi32, #tpu.memory_space<hbm>> -> memref<1x8192xi32, #tpu.memory_space<hbm>>
      %dma_start3A_17 = tpu.memref_squeeze %dma_start3A : memref<1x8192xi32, #tpu.memory_space<hbm>> -> memref<8192xi32, #tpu.memory_space<hbm>>
      %dma_start3A_18 = tpu.memref_slice %arg2[%add3A_16, %mul3A_0] : memref<200x16384xi32, #tpu.memory_space<hbm>> -> memref<1x8192xi32, #tpu.memory_space<hbm>>
      %dma_start3A_19 = tpu.memref_squeeze %dma_start3A_18 : memref<1x8192xi32, #tpu.memory_space<hbm>> -> memref<8192xi32, #tpu.memory_space<hbm>>
      tpu.enqueue_dma source(%dma_start3A_19 : memref<8192xi32, #tpu.memory_space<hbm>>) target(%arg5 : memref<8192xi32, #tpu.memory_space<vmem>>) target_semaphore(%arg10 : memref<!tpu.dma_semaphore, #tpu.memory_space<semaphore_mem>>)
      %gt3A = arith.constant 0 : i32
      %gt3A_20 = arith.cmpi sgt, %add3A_3, %gt3A : i32
      %convert_element_type3A_21 = arith.extui %gt3A_20 : i1 to i32
      %cond3A_22 = arith.constant 0 : i32
      %cond3A_23 = arith.cmpi ne, %convert_element_type3A_21, %cond3A_22 : i32
      scf.if %cond3A_23 {
        %add3A_98 = arith.constant 0 : i32
        %add3A_99 = arith.addi %arg1, %add3A_98 : i32
        %dma_wait3A = tpu.memref_slice %arg2[%add3A_99, %mul3A_0] : memref<200x16384xi32, #tpu.memory_space<hbm>> -> memref<1x8192xi32, #tpu.memory_space<hbm>>
        %dma_wait3A_100 = tpu.memref_squeeze %dma_wait3A : memref<1x8192xi32, #tpu.memory_space<hbm>> -> memref<8192xi32, #tpu.memory_space<hbm>>
        %dma_wait3A_101 = tpu.memref_slice %arg2[%add3A_99, %mul3A_0] : memref<200x16384xi32, #tpu.memory_space<hbm>> -> memref<1x8192xi32, #tpu.memory_space<hbm>>
        %dma_wait3A_102 = tpu.memref_squeeze %dma_wait3A_101 : memref<1x8192xi32, #tpu.memory_space<hbm>> -> memref<8192xi32, #tpu.memory_space<hbm>>
        tpu.wait_dma2 semaphore(%arg10 : memref<!tpu.dma_semaphore, #tpu.memory_space<semaphore_mem>>) src(%dma_wait3A_102 : memref<8192xi32, #tpu.memory_space<hbm>>) dst(%arg5 : memref<8192xi32, #tpu.memory_space<vmem>>)
        %gt3A_103 = arith.constant 1 : i32
        %gt3A_104 = arith.cmpi sgt, %add3A_3, %gt3A_103 : i32
        %convert_element_type3A_105 = arith.extui %gt3A_104 : i1 to i32
        %cond3A_106 = arith.constant 0 : i32
        %cond3A_107 = arith.cmpi ne, %convert_element_type3A_105, %cond3A_106 : i32
        scf.if %cond3A_107 {
          %add3A_118 = arith.constant 16 : i32
          %add3A_119 = arith.addi %arg1, %add3A_118 : i32
          %dma_start3A_120 = tpu.memref_slice %arg2[%add3A_119, %mul3A_0] : memref<200x16384xi32, #tpu.memory_space<hbm>> -> memref<1x8192xi32, #tpu.memory_space<hbm>>
          %dma_start3A_121 = tpu.memref_squeeze %dma_start3A_120 : memref<1x8192xi32, #tpu.memory_space<hbm>> -> memref<8192xi32, #tpu.memory_space<hbm>>
          %dma_start3A_122 = tpu.memref_slice %arg2[%add3A_119, %mul3A_0] : memref<200x16384xi32, #tpu.memory_space<hbm>> -> memref<1x8192xi32, #tpu.memory_space<hbm>>
          %dma_start3A_123 = tpu.memref_squeeze %dma_start3A_122 : memref<1x8192xi32, #tpu.memory_space<hbm>> -> memref<8192xi32, #tpu.memory_space<hbm>>
          tpu.enqueue_dma source(%dma_start3A_123 : memref<8192xi32, #tpu.memory_space<hbm>>) target(%arg6 : memref<8192xi32, #tpu.memory_space<vmem>>) target_semaphore(%arg11 : memref<!tpu.dma_semaphore, #tpu.memory_space<semaphore_mem>>)
        } else {
        }
        %dma_start3A_108 = arith.constant 0 : i32
        %dma_start3A_109 = tpu.memref_slice %arg9[%dma_start3A_108] : memref<1000000xf32, #tpu.memory_space<vmem_shared>> -> memref<1000000xf32, #tpu.memory_space<vmem_shared>>
        tpu.enqueue_indirect_dma source(%dma_start3A_109 : memref<1000000xf32, #tpu.memory_space<vmem_shared>>) target(%arg7 : memref<8192xf32, #tpu.memory_space<vmem>>) offsets(%arg5 : memref<8192xi32, #tpu.memory_space<vmem>>) semaphore(%arg12 : memref<!tpu.dma_semaphore, #tpu.memory_space<semaphore_mem>>)
        %dma_wait3A_110 = arith.constant 0 : i32
        %dma_wait3A_111 = tpu.memref_slice %arg9[%dma_wait3A_110] : memref<1000000xf32, #tpu.memory_space<vmem_shared>> -> memref<1000000xf32, #tpu.memory_space<vmem_shared>>
        tpu.wait_indirect_dma semaphore(%arg12 : memref<!tpu.dma_semaphore, #tpu.memory_space<semaphore_mem>>) src(%dma_wait3A_111 : memref<1000000xf32, #tpu.memory_space<vmem_shared>>) dst(%arg7 : memref<8192xf32, #tpu.memory_space<vmem>>)
        %add3A_112 = arith.constant 0 : i32
        %add3A_113 = arith.addi %arg1, %add3A_112 : i32
        %dma_start3A_114 = tpu.memref_slice %arg4[%add3A_113, %add3A_12, %mul3A_0] : memref<200x32x16384xf32, #tpu.memory_space<hbm>> -> memref<1x1x8192xf32, #tpu.memory_space<hbm>>
        %dma_start3A_115 = tpu.memref_squeeze %dma_start3A_114 : memref<1x1x8192xf32, #tpu.memory_space<hbm>> -> memref<8192xf32, #tpu.memory_space<hbm>>
        %dma_start3A_116 = tpu.memref_slice %arg4[%add3A_113, %add3A_12, %mul3A_0] : memref<200x32x16384xf32, #tpu.memory_space<hbm>> -> memref<1x1x8192xf32, #tpu.memory_space<hbm>>
        %dma_start3A_117 = tpu.memref_squeeze %dma_start3A_116 : memref<1x1x8192xf32, #tpu.memory_space<hbm>> -> memref<8192xf32, #tpu.memory_space<hbm>>
        tpu.enqueue_dma source(%arg7 : memref<8192xf32, #tpu.memory_space<vmem>>) target(%dma_start3A_117 : memref<8192xf32, #tpu.memory_space<hbm>>) target_semaphore(%arg14 : memref<!tpu.dma_semaphore, #tpu.memory_space<semaphore_mem>>)
      } else {
      }
      %gt3A_24 = arith.constant 1 : i32
      %gt3A_25 = arith.cmpi sgt, %add3A_3, %gt3A_24 : i32
      %convert_element_type3A_26 = arith.extui %gt3A_25 : i1 to i32
      %cond3A_27 = arith.constant 0 : i32
      %cond3A_28 = arith.cmpi ne, %convert_element_type3A_26, %cond3A_27 : i32
      scf.if %cond3A_28 {
        %add3A_98 = arith.constant 16 : i32
        %add3A_99 = arith.addi %arg1, %add3A_98 : i32
        %dma_wait3A = tpu.memref_slice %arg2[%add3A_99, %mul3A_0] : memref<200x16384xi32, #tpu.memory_space<hbm>> -> memref<1x8192xi32, #tpu.memory_space<hbm>>
        %dma_wait3A_100 = tpu.memref_squeeze %dma_wait3A : memref<1x8192xi32, #tpu.memory_space<hbm>> -> memref<8192xi32, #tpu.memory_space<hbm>>
        %dma_wait3A_101 = tpu.memref_slice %arg2[%add3A_99, %mul3A_0] : memref<200x16384xi32, #tpu.memory_space<hbm>> -> memref<1x8192xi32, #tpu.memory_space<hbm>>
        %dma_wait3A_102 = tpu.memref_squeeze %dma_wait3A_101 : memref<1x8192xi32, #tpu.memory_space<hbm>> -> memref<8192xi32, #tpu.memory_space<hbm>>
        tpu.wait_dma2 semaphore(%arg11 : memref<!tpu.dma_semaphore, #tpu.memory_space<semaphore_mem>>) src(%dma_wait3A_102 : memref<8192xi32, #tpu.memory_space<hbm>>) dst(%arg6 : memref<8192xi32, #tpu.memory_space<vmem>>)
        %gt3A_103 = arith.constant 2 : i32
        %gt3A_104 = arith.cmpi sgt, %add3A_3, %gt3A_103 : i32
        %convert_element_type3A_105 = arith.extui %gt3A_104 : i1 to i32
        %cond3A_106 = arith.constant 0 : i32
        %cond3A_107 = arith.cmpi ne, %convert_element_type3A_105, %cond3A_106 : i32
        scf.if %cond3A_107 {
          %add3A_118 = arith.constant 32 : i32
          %add3A_119 = arith.addi %arg1, %add3A_118 : i32
          %dma_start3A_120 = tpu.memref_slice %arg2[%add3A_119, %mul3A_0] : memref<200x16384xi32, #tpu.memory_space<hbm>> -> memref<1x8192xi32, #tpu.memory_space<hbm>>
          %dma_start3A_121 = tpu.memref_squeeze %dma_start3A_120 : memref<1x8192xi32, #tpu.memory_space<hbm>> -> memref<8192xi32, #tpu.memory_space<hbm>>
          %dma_start3A_122 = tpu.memref_slice %arg2[%add3A_119, %mul3A_0] : memref<200x16384xi32, #tpu.memory_space<hbm>> -> memref<1x8192xi32, #tpu.memory_space<hbm>>
          %dma_start3A_123 = tpu.memref_squeeze %dma_start3A_122 : memref<1x8192xi32, #tpu.memory_space<hbm>> -> memref<8192xi32, #tpu.memory_space<hbm>>
          tpu.enqueue_dma source(%dma_start3A_123 : memref<8192xi32, #tpu.memory_space<hbm>>) target(%arg5 : memref<8192xi32, #tpu.memory_space<vmem>>) target_semaphore(%arg10 : memref<!tpu.dma_semaphore, #tpu.memory_space<semaphore_mem>>)
        } else {
        }
        %dma_start3A_108 = arith.constant 0 : i32
        %dma_start3A_109 = tpu.memref_slice %arg9[%dma_start3A_108] : memref<1000000xf32, #tpu.memory_space<vmem_shared>> -> memref<1000000xf32, #tpu.memory_space<vmem_shared>>
        tpu.enqueue_indirect_dma source(%dma_start3A_109 : memref<1000000xf32, #tpu.memory_space<vmem_shared>>) target(%arg8 : memref<8192xf32, #tpu.memory_space<vmem>>) offsets(%arg6 : memref<8192xi32, #tpu.memory_space<vmem>>) semaphore(%arg13 : memref<!tpu.dma_semaphore, #tpu.memory_space<semaphore_mem>>)
        %dma_wait3A_110 = arith.constant 0 : i32
        %dma_wait3A_111 = tpu.memref_slice %arg9[%dma_wait3A_110] : memref<1000000xf32, #tpu.memory_space<vmem_shared>> -> memref<1000000xf32, #tpu.memory_space<vmem_shared>>
        tpu.wait_indirect_dma semaphore(%arg13 : memref<!tpu.dma_semaphore, #tpu.memory_space<semaphore_mem>>) src(%dma_wait3A_111 : memref<1000000xf32, #tpu.memory_space<vmem_shared>>) dst(%arg8 : memref<8192xf32, #tpu.memory_space<vmem>>)
        %add3A_112 = arith.constant 16 : i32
        %add3A_113 = arith.addi %arg1, %add3A_112 : i32
        %dma_start3A_114 = tpu.memref_slice %arg4[%add3A_113, %add3A_12, %mul3A_0] : memref<200x32x16384xf32, #tpu.memory_space<hbm>> -> memref<1x1x8192xf32, #tpu.memory_space<hbm>>
        %dma_start3A_115 = tpu.memref_squeeze %dma_start3A_114 : memref<1x1x8192xf32, #tpu.memory_space<hbm>> -> memref<8192xf32, #tpu.memory_space<hbm>>
        %dma_start3A_116 = tpu.memref_slice %arg4[%add3A_113, %add3A_12, %mul3A_0] : memref<200x32x16384xf32, #tpu.memory_space<hbm>> -> memref<1x1x8192xf32, #tpu.memory_space<hbm>>
        %dma_start3A_117 = tpu.memref_squeeze %dma_start3A_116 : memref<1x1x8192xf32, #tpu.memory_space<hbm>> -> memref<8192xf32, #tpu.memory_space<hbm>>
        tpu.enqueue_dma source(%arg8 : memref<8192xf32, #tpu.memory_space<vmem>>) target(%dma_start3A_117 : memref<8192xf32, #tpu.memory_space<hbm>>) target_semaphore(%arg15 : memref<!tpu.dma_semaphore, #tpu.memory_space<semaphore_mem>>)
      } else {
      }
      %gt3A_29 = arith.constant 2 : i32
      %gt3A_30 = arith.cmpi sgt, %add3A_3, %gt3A_29 : i32
      %convert_element_type3A_31 = arith.extui %gt3A_30 : i1 to i32
      %cond3A_32 = arith.constant 0 : i32
      %cond3A_33 = arith.cmpi ne, %convert_element_type3A_31, %cond3A_32 : i32
      scf.if %cond3A_33 {
        %add3A_98 = arith.constant 32 : i32
        %add3A_99 = arith.addi %arg1, %add3A_98 : i32
        %dma_wait3A = tpu.memref_slice %arg2[%add3A_99, %mul3A_0] : memref<200x16384xi32, #tpu.memory_space<hbm>> -> memref<1x8192xi32, #tpu.memory_space<hbm>>
        %dma_wait3A_100 = tpu.memref_squeeze %dma_wait3A : memref<1x8192xi32, #tpu.memory_space<hbm>> -> memref<8192xi32, #tpu.memory_space<hbm>>
        %dma_wait3A_101 = tpu.memref_slice %arg2[%add3A_99, %mul3A_0] : memref<200x16384xi32, #tpu.memory_space<hbm>> -> memref<1x8192xi32, #tpu.memory_space<hbm>>
        %dma_wait3A_102 = tpu.memref_squeeze %dma_wait3A_101 : memref<1x8192xi32, #tpu.memory_space<hbm>> -> memref<8192xi32, #tpu.memory_space<hbm>>
        tpu.wait_dma2 semaphore(%arg10 : memref<!tpu.dma_semaphore, #tpu.memory_space<semaphore_mem>>) src(%dma_wait3A_102 : memref<8192xi32, #tpu.memory_space<hbm>>) dst(%arg5 : memref<8192xi32, #tpu.memory_space<vmem>>)
        %gt3A_103 = arith.constant 3 : i32
        %gt3A_104 = arith.cmpi sgt, %add3A_3, %gt3A_103 : i32
        %convert_element_type3A_105 = arith.extui %gt3A_104 : i1 to i32
        %cond3A_106 = arith.constant 0 : i32
        %cond3A_107 = arith.cmpi ne, %convert_element_type3A_105, %cond3A_106 : i32
        scf.if %cond3A_107 {
          %add3A_124 = arith.constant 48 : i32
          %add3A_125 = arith.addi %arg1, %add3A_124 : i32
          %dma_start3A_126 = tpu.memref_slice %arg2[%add3A_125, %mul3A_0] : memref<200x16384xi32, #tpu.memory_space<hbm>> -> memref<1x8192xi32, #tpu.memory_space<hbm>>
          %dma_start3A_127 = tpu.memref_squeeze %dma_start3A_126 : memref<1x8192xi32, #tpu.memory_space<hbm>> -> memref<8192xi32, #tpu.memory_space<hbm>>
          %dma_start3A_128 = tpu.memref_slice %arg2[%add3A_125, %mul3A_0] : memref<200x16384xi32, #tpu.memory_space<hbm>> -> memref<1x8192xi32, #tpu.memory_space<hbm>>
          %dma_start3A_129 = tpu.memref_squeeze %dma_start3A_128 : memref<1x8192xi32, #tpu.memory_space<hbm>> -> memref<8192xi32, #tpu.memory_space<hbm>>
          tpu.enqueue_dma source(%dma_start3A_129 : memref<8192xi32, #tpu.memory_space<hbm>>) target(%arg6 : memref<8192xi32, #tpu.memory_space<vmem>>) target_semaphore(%arg11 : memref<!tpu.dma_semaphore, #tpu.memory_space<semaphore_mem>>)
        } else {
        }
        %dma_start3A_108 = arith.constant 0 : i32
        %dma_start3A_109 = tpu.memref_slice %arg9[%dma_start3A_108] : memref<1000000xf32, #tpu.memory_space<vmem_shared>> -> memref<1000000xf32, #tpu.memory_space<vmem_shared>>
        tpu.enqueue_indirect_dma source(%dma_start3A_109 : memref<1000000xf32, #tpu.memory_space<vmem_shared>>) target(%arg7 : memref<8192xf32, #tpu.memory_space<vmem>>) offsets(%arg5 : memref<8192xi32, #tpu.memory_space<vmem>>) semaphore(%arg12 : memref<!tpu.dma_semaphore, #tpu.memory_space<semaphore_mem>>)
        %dma_wait3A_110 = arith.constant 0 : i32
        %dma_wait3A_111 = tpu.memref_slice %arg9[%dma_wait3A_110] : memref<1000000xf32, #tpu.memory_space<vmem_shared>> -> memref<1000000xf32, #tpu.memory_space<vmem_shared>>
        tpu.wait_indirect_dma semaphore(%arg12 : memref<!tpu.dma_semaphore, #tpu.memory_space<semaphore_mem>>) src(%dma_wait3A_111 : memref<1000000xf32, #tpu.memory_space<vmem_shared>>) dst(%arg7 : memref<8192xf32, #tpu.memory_space<vmem>>)
        %add3A_112 = arith.constant 0 : i32
        %add3A_113 = arith.addi %arg1, %add3A_112 : i32
        %dma_wait3A_114 = tpu.memref_slice %arg4[%add3A_113, %add3A_12, %mul3A_0] : memref<200x32x16384xf32, #tpu.memory_space<hbm>> -> memref<1x1x8192xf32, #tpu.memory_space<hbm>>
        %dma_wait3A_115 = tpu.memref_squeeze %dma_wait3A_114 : memref<1x1x8192xf32, #tpu.memory_space<hbm>> -> memref<8192xf32, #tpu.memory_space<hbm>>
        %dma_wait3A_116 = tpu.memref_slice %arg4[%add3A_113, %add3A_12, %mul3A_0] : memref<200x32x16384xf32, #tpu.memory_space<hbm>> -> memref<1x1x8192xf32, #tpu.memory_space<hbm>>
        %dma_wait3A_117 = tpu.memref_squeeze %dma_wait3A_116 : memref<1x1x8192xf32, #tpu.memory_space<hbm>> -> memref<8192xf32, #tpu.memory_space<hbm>>
        tpu.wait_dma2 semaphore(%arg14 : memref<!tpu.dma_semaphore, #tpu.memory_space<semaphore_mem>>) src(%arg7 : memref<8192xf32, #tpu.memory_space<vmem>>) dst(%dma_wait3A_117 : memref<8192xf32, #tpu.memory_space<hbm>>)
        %add3A_118 = arith.constant 32 : i32
        %add3A_119 = arith.addi %arg1, %add3A_118 : i32
        %dma_start3A_120 = tpu.memref_slice %arg4[%add3A_119, %add3A_12, %mul3A_0] : memref<200x32x16384xf32, #tpu.memory_space<hbm>> -> memref<1x1x8192xf32, #tpu.memory_space<hbm>>
        %dma_start3A_121 = tpu.memref_squeeze %dma_start3A_120 : memref<1x1x8192xf32, #tpu.memory_space<hbm>> -> memref<8192xf32, #tpu.memory_space<hbm>>
        %dma_start3A_122 = tpu.memref_slice %arg4[%add3A_119, %add3A_12, %mul3A_0] : memref<200x32x16384xf32, #tpu.memory_space<hbm>> -> memref<1x1x8192xf32, #tpu.memory_space<hbm>>
        %dma_start3A_123 = tpu.memref_squeeze %dma_start3A_122 : memref<1x1x8192xf32, #tpu.memory_space<hbm>> -> memref<8192xf32, #tpu.memory_space<hbm>>
        tpu.enqueue_dma source(%arg7 : memref<8192xf32, #tpu.memory_space<vmem>>) target(%dma_start3A_123 : memref<8192xf32, #tpu.memory_space<hbm>>) target_semaphore(%arg14 : memref<!tpu.dma_semaphore, #tpu.memory_space<semaphore_mem>>)
      } else {
      }
      %gt3A_34 = arith.constant 3 : i32
      %gt3A_35 = arith.cmpi sgt, %add3A_3, %gt3A_34 : i32
      %convert_element_type3A_36 = arith.extui %gt3A_35 : i1 to i32
      %cond3A_37 = arith.constant 0 : i32
      %cond3A_38 = arith.cmpi ne, %convert_element_type3A_36, %cond3A_37 : i32
      scf.if %cond3A_38 {
        %add3A_98 = arith.constant 48 : i32
        %add3A_99 = arith.addi %arg1, %add3A_98 : i32
        %dma_wait3A = tpu.memref_slice %arg2[%add3A_99, %mul3A_0] : memref<200x16384xi32, #tpu.memory_space<hbm>> -> memref<1x8192xi32, #tpu.memory_space<hbm>>
        %dma_wait3A_100 = tpu.memref_squeeze %dma_wait3A : memref<1x8192xi32, #tpu.memory_space<hbm>> -> memref<8192xi32, #tpu.memory_space<hbm>>
        %dma_wait3A_101 = tpu.memref_slice %arg2[%add3A_99, %mul3A_0] : memref<200x16384xi32, #tpu.memory_space<hbm>> -> memref<1x8192xi32, #tpu.memory_space<hbm>>
        %dma_wait3A_102 = tpu.memref_squeeze %dma_wait3A_101 : memref<1x8192xi32, #tpu.memory_space<hbm>> -> memref<8192xi32, #tpu.memory_space<hbm>>
        tpu.wait_dma2 semaphore(%arg11 : memref<!tpu.dma_semaphore, #tpu.memory_space<semaphore_mem>>) src(%dma_wait3A_102 : memref<8192xi32, #tpu.memory_space<hbm>>) dst(%arg6 : memref<8192xi32, #tpu.memory_space<vmem>>)
        %gt3A_103 = arith.constant 4 : i32
        %gt3A_104 = arith.cmpi sgt, %add3A_3, %gt3A_103 : i32
        %convert_element_type3A_105 = arith.extui %gt3A_104 : i1 to i32
        %cond3A_106 = arith.constant 0 : i32
        %cond3A_107 = arith.cmpi ne, %convert_element_type3A_105, %cond3A_106 : i32
        scf.if %cond3A_107 {
          %add3A_124 = arith.constant 64 : i32
          %add3A_125 = arith.addi %arg1, %add3A_124 : i32
          %dma_start3A_126 = tpu.memref_slice %arg2[%add3A_125, %mul3A_0] : memref<200x16384xi32, #tpu.memory_space<hbm>> -> memref<1x8192xi32, #tpu.memory_space<hbm>>
          %dma_start3A_127 = tpu.memref_squeeze %dma_start3A_126 : memref<1x8192xi32, #tpu.memory_space<hbm>> -> memref<8192xi32, #tpu.memory_space<hbm>>
          %dma_start3A_128 = tpu.memref_slice %arg2[%add3A_125, %mul3A_0] : memref<200x16384xi32, #tpu.memory_space<hbm>> -> memref<1x8192xi32, #tpu.memory_space<hbm>>
          %dma_start3A_129 = tpu.memref_squeeze %dma_start3A_128 : memref<1x8192xi32, #tpu.memory_space<hbm>> -> memref<8192xi32, #tpu.memory_space<hbm>>
          tpu.enqueue_dma source(%dma_start3A_129 : memref<8192xi32, #tpu.memory_space<hbm>>) target(%arg5 : memref<8192xi32, #tpu.memory_space<vmem>>) target_semaphore(%arg10 : memref<!tpu.dma_semaphore, #tpu.memory_space<semaphore_mem>>)
        } else {
        }
        %dma_start3A_108 = arith.constant 0 : i32
        %dma_start3A_109 = tpu.memref_slice %arg9[%dma_start3A_108] : memref<1000000xf32, #tpu.memory_space<vmem_shared>> -> memref<1000000xf32, #tpu.memory_space<vmem_shared>>
        tpu.enqueue_indirect_dma source(%dma_start3A_109 : memref<1000000xf32, #tpu.memory_space<vmem_shared>>) target(%arg8 : memref<8192xf32, #tpu.memory_space<vmem>>) offsets(%arg6 : memref<8192xi32, #tpu.memory_space<vmem>>) semaphore(%arg13 : memref<!tpu.dma_semaphore, #tpu.memory_space<semaphore_mem>>)
        %dma_wait3A_110 = arith.constant 0 : i32
        %dma_wait3A_111 = tpu.memref_slice %arg9[%dma_wait3A_110] : memref<1000000xf32, #tpu.memory_space<vmem_shared>> -> memref<1000000xf32, #tpu.memory_space<vmem_shared>>
        tpu.wait_indirect_dma semaphore(%arg13 : memref<!tpu.dma_semaphore, #tpu.memory_space<semaphore_mem>>) src(%dma_wait3A_111 : memref<1000000xf32, #tpu.memory_space<vmem_shared>>) dst(%arg8 : memref<8192xf32, #tpu.memory_space<vmem>>)
        %add3A_112 = arith.constant 16 : i32
        %add3A_113 = arith.addi %arg1, %add3A_112 : i32
        %dma_wait3A_114 = tpu.memref_slice %arg4[%add3A_113, %add3A_12, %mul3A_0] : memref<200x32x16384xf32, #tpu.memory_space<hbm>> -> memref<1x1x8192xf32, #tpu.memory_space<hbm>>
        %dma_wait3A_115 = tpu.memref_squeeze %dma_wait3A_114 : memref<1x1x8192xf32, #tpu.memory_space<hbm>> -> memref<8192xf32, #tpu.memory_space<hbm>>
        %dma_wait3A_116 = tpu.memref_slice %arg4[%add3A_113, %add3A_12, %mul3A_0] : memref<200x32x16384xf32, #tpu.memory_space<hbm>> -> memref<1x1x8192xf32, #tpu.memory_space<hbm>>
        %dma_wait3A_117 = tpu.memref_squeeze %dma_wait3A_116 : memref<1x1x8192xf32, #tpu.memory_space<hbm>> -> memref<8192xf32, #tpu.memory_space<hbm>>
        tpu.wait_dma2 semaphore(%arg15 : memref<!tpu.dma_semaphore, #tpu.memory_space<semaphore_mem>>) src(%arg8 : memref<8192xf32, #tpu.memory_space<vmem>>) dst(%dma_wait3A_117 : memref<8192xf32, #tpu.memory_space<hbm>>)
        %add3A_118 = arith.constant 48 : i32
        %add3A_119 = arith.addi %arg1, %add3A_118 : i32
        %dma_start3A_120 = tpu.memref_slice %arg4[%add3A_119, %add3A_12, %mul3A_0] : memref<200x32x16384xf32, #tpu.memory_space<hbm>> -> memref<1x1x8192xf32, #tpu.memory_space<hbm>>
        %dma_start3A_121 = tpu.memref_squeeze %dma_start3A_120 : memref<1x1x8192xf32, #tpu.memory_space<hbm>> -> memref<8192xf32, #tpu.memory_space<hbm>>
        %dma_start3A_122 = tpu.memref_slice %arg4[%add3A_119, %add3A_12, %mul3A_0] : memref<200x32x16384xf32, #tpu.memory_space<hbm>> -> memref<1x1x8192xf32, #tpu.memory_space<hbm>>
        %dma_start3A_123 = tpu.memref_squeeze %dma_start3A_122 : memref<1x1x8192xf32, #tpu.memory_space<hbm>> -> memref<8192xf32, #tpu.memory_space<hbm>>
        tpu.enqueue_dma source(%arg8 : memref<8192xf32, #tpu.memory_space<vmem>>) target(%dma_start3A_123 : memref<8192xf32, #tpu.memory_space<hbm>>) target_semaphore(%arg15 : memref<!tpu.dma_semaphore, #tpu.memory_space<semaphore_mem>>)
      } else {
      }
      %gt3A_39 = arith.constant 4 : i32
      %gt3A_40 = arith.cmpi sgt, %add3A_3, %gt3A_39 : i32
      %convert_element_type3A_41 = arith.extui %gt3A_40 : i1 to i32
      %cond3A_42 = arith.constant 0 : i32
      %cond3A_43 = arith.cmpi ne, %convert_element_type3A_41, %cond3A_42 : i32
      scf.if %cond3A_43 {
        %add3A_98 = arith.constant 64 : i32
        %add3A_99 = arith.addi %arg1, %add3A_98 : i32
        %dma_wait3A = tpu.memref_slice %arg2[%add3A_99, %mul3A_0] : memref<200x16384xi32, #tpu.memory_space<hbm>> -> memref<1x8192xi32, #tpu.memory_space<hbm>>
        %dma_wait3A_100 = tpu.memref_squeeze %dma_wait3A : memref<1x8192xi32, #tpu.memory_space<hbm>> -> memref<8192xi32, #tpu.memory_space<hbm>>
        %dma_wait3A_101 = tpu.memref_slice %arg2[%add3A_99, %mul3A_0] : memref<200x16384xi32, #tpu.memory_space<hbm>> -> memref<1x8192xi32, #tpu.memory_space<hbm>>
        %dma_wait3A_102 = tpu.memref_squeeze %dma_wait3A_101 : memref<1x8192xi32, #tpu.memory_space<hbm>> -> memref<8192xi32, #tpu.memory_space<hbm>>
        tpu.wait_dma2 semaphore(%arg10 : memref<!tpu.dma_semaphore, #tpu.memory_space<semaphore_mem>>) src(%dma_wait3A_102 : memref<8192xi32, #tpu.memory_space<hbm>>) dst(%arg5 : memref<8192xi32, #tpu.memory_space<vmem>>)
        %gt3A_103 = arith.constant 5 : i32
        %gt3A_104 = arith.cmpi sgt, %add3A_3, %gt3A_103 : i32
        %convert_element_type3A_105 = arith.extui %gt3A_104 : i1 to i32
        %cond3A_106 = arith.constant 0 : i32
        %cond3A_107 = arith.cmpi ne, %convert_element_type3A_105, %cond3A_106 : i32
        scf.if %cond3A_107 {
          %add3A_124 = arith.constant 80 : i32
          %add3A_125 = arith.addi %arg1, %add3A_124 : i32
          %dma_start3A_126 = tpu.memref_slice %arg2[%add3A_125, %mul3A_0] : memref<200x16384xi32, #tpu.memory_space<hbm>> -> memref<1x8192xi32, #tpu.memory_space<hbm>>
          %dma_start3A_127 = tpu.memref_squeeze %dma_start3A_126 : memref<1x8192xi32, #tpu.memory_space<hbm>> -> memref<8192xi32, #tpu.memory_space<hbm>>
          %dma_start3A_128 = tpu.memref_slice %arg2[%add3A_125, %mul3A_0] : memref<200x16384xi32, #tpu.memory_space<hbm>> -> memref<1x8192xi32, #tpu.memory_space<hbm>>
          %dma_start3A_129 = tpu.memref_squeeze %dma_start3A_128 : memref<1x8192xi32, #tpu.memory_space<hbm>> -> memref<8192xi32, #tpu.memory_space<hbm>>
          tpu.enqueue_dma source(%dma_start3A_129 : memref<8192xi32, #tpu.memory_space<hbm>>) target(%arg6 : memref<8192xi32, #tpu.memory_space<vmem>>) target_semaphore(%arg11 : memref<!tpu.dma_semaphore, #tpu.memory_space<semaphore_mem>>)
        } else {
        }
        %dma_start3A_108 = arith.constant 0 : i32
        %dma_start3A_109 = tpu.memref_slice %arg9[%dma_start3A_108] : memref<1000000xf32, #tpu.memory_space<vmem_shared>> -> memref<1000000xf32, #tpu.memory_space<vmem_shared>>
        tpu.enqueue_indirect_dma source(%dma_start3A_109 : memref<1000000xf32, #tpu.memory_space<vmem_shared>>) target(%arg7 : memref<8192xf32, #tpu.memory_space<vmem>>) offsets(%arg5 : memref<8192xi32, #tpu.memory_space<vmem>>) semaphore(%arg12 : memref<!tpu.dma_semaphore, #tpu.memory_space<semaphore_mem>>)
        %dma_wait3A_110 = arith.constant 0 : i32
        %dma_wait3A_111 = tpu.memref_slice %arg9[%dma_wait3A_110] : memref<1000000xf32, #tpu.memory_space<vmem_shared>> -> memref<1000000xf32, #tpu.memory_space<vmem_shared>>
        tpu.wait_indirect_dma semaphore(%arg12 : memref<!tpu.dma_semaphore, #tpu.memory_space<semaphore_mem>>) src(%dma_wait3A_111 : memref<1000000xf32, #tpu.memory_space<vmem_shared>>) dst(%arg7 : memref<8192xf32, #tpu.memory_space<vmem>>)
        %add3A_112 = arith.constant 32 : i32
        %add3A_113 = arith.addi %arg1, %add3A_112 : i32
        %dma_wait3A_114 = tpu.memref_slice %arg4[%add3A_113, %add3A_12, %mul3A_0] : memref<200x32x16384xf32, #tpu.memory_space<hbm>> -> memref<1x1x8192xf32, #tpu.memory_space<hbm>>
        %dma_wait3A_115 = tpu.memref_squeeze %dma_wait3A_114 : memref<1x1x8192xf32, #tpu.memory_space<hbm>> -> memref<8192xf32, #tpu.memory_space<hbm>>
        %dma_wait3A_116 = tpu.memref_slice %arg4[%add3A_113, %add3A_12, %mul3A_0] : memref<200x32x16384xf32, #tpu.memory_space<hbm>> -> memref<1x1x8192xf32, #tpu.memory_space<hbm>>
        %dma_wait3A_117 = tpu.memref_squeeze %dma_wait3A_116 : memref<1x1x8192xf32, #tpu.memory_space<hbm>> -> memref<8192xf32, #tpu.memory_space<hbm>>
        tpu.wait_dma2 semaphore(%arg14 : memref<!tpu.dma_semaphore, #tpu.memory_space<semaphore_mem>>) src(%arg7 : memref<8192xf32, #tpu.memory_space<vmem>>) dst(%dma_wait3A_117 : memref<8192xf32, #tpu.memory_space<hbm>>)
        %add3A_118 = arith.constant 64 : i32
        %add3A_119 = arith.addi %arg1, %add3A_118 : i32
        %dma_start3A_120 = tpu.memref_slice %arg4[%add3A_119, %add3A_12, %mul3A_0] : memref<200x32x16384xf32, #tpu.memory_space<hbm>> -> memref<1x1x8192xf32, #tpu.memory_space<hbm>>
        %dma_start3A_121 = tpu.memref_squeeze %dma_start3A_120 : memref<1x1x8192xf32, #tpu.memory_space<hbm>> -> memref<8192xf32, #tpu.memory_space<hbm>>
        %dma_start3A_122 = tpu.memref_slice %arg4[%add3A_119, %add3A_12, %mul3A_0] : memref<200x32x16384xf32, #tpu.memory_space<hbm>> -> memref<1x1x8192xf32, #tpu.memory_space<hbm>>
        %dma_start3A_123 = tpu.memref_squeeze %dma_start3A_122 : memref<1x1x8192xf32, #tpu.memory_space<hbm>> -> memref<8192xf32, #tpu.memory_space<hbm>>
        tpu.enqueue_dma source(%arg7 : memref<8192xf32, #tpu.memory_space<vmem>>) target(%dma_start3A_123 : memref<8192xf32, #tpu.memory_space<hbm>>) target_semaphore(%arg14 : memref<!tpu.dma_semaphore, #tpu.memory_space<semaphore_mem>>)
      } else {
      }
      %gt3A_44 = arith.constant 5 : i32
      %gt3A_45 = arith.cmpi sgt, %add3A_3, %gt3A_44 : i32
      %convert_element_type3A_46 = arith.extui %gt3A_45 : i1 to i32
      %cond3A_47 = arith.constant 0 : i32
      %cond3A_48 = arith.cmpi ne, %convert_element_type3A_46, %cond3A_47 : i32
      scf.if %cond3A_48 {
        %add3A_98 = arith.constant 80 : i32
        %add3A_99 = arith.addi %arg1, %add3A_98 : i32
        %dma_wait3A = tpu.memref_slice %arg2[%add3A_99, %mul3A_0] : memref<200x16384xi32, #tpu.memory_space<hbm>> -> memref<1x8192xi32, #tpu.memory_space<hbm>>
        %dma_wait3A_100 = tpu.memref_squeeze %dma_wait3A : memref<1x8192xi32, #tpu.memory_space<hbm>> -> memref<8192xi32, #tpu.memory_space<hbm>>
        %dma_wait3A_101 = tpu.memref_slice %arg2[%add3A_99, %mul3A_0] : memref<200x16384xi32, #tpu.memory_space<hbm>> -> memref<1x8192xi32, #tpu.memory_space<hbm>>
        %dma_wait3A_102 = tpu.memref_squeeze %dma_wait3A_101 : memref<1x8192xi32, #tpu.memory_space<hbm>> -> memref<8192xi32, #tpu.memory_space<hbm>>
        tpu.wait_dma2 semaphore(%arg11 : memref<!tpu.dma_semaphore, #tpu.memory_space<semaphore_mem>>) src(%dma_wait3A_102 : memref<8192xi32, #tpu.memory_space<hbm>>) dst(%arg6 : memref<8192xi32, #tpu.memory_space<vmem>>)
        %gt3A_103 = arith.constant 6 : i32
        %gt3A_104 = arith.cmpi sgt, %add3A_3, %gt3A_103 : i32
        %convert_element_type3A_105 = arith.extui %gt3A_104 : i1 to i32
        %cond3A_106 = arith.constant 0 : i32
        %cond3A_107 = arith.cmpi ne, %convert_element_type3A_105, %cond3A_106 : i32
        scf.if %cond3A_107 {
          %add3A_124 = arith.constant 96 : i32
          %add3A_125 = arith.addi %arg1, %add3A_124 : i32
          %dma_start3A_126 = tpu.memref_slice %arg2[%add3A_125, %mul3A_0] : memref<200x16384xi32, #tpu.memory_space<hbm>> -> memref<1x8192xi32, #tpu.memory_space<hbm>>
          %dma_start3A_127 = tpu.memref_squeeze %dma_start3A_126 : memref<1x8192xi32, #tpu.memory_space<hbm>> -> memref<8192xi32, #tpu.memory_space<hbm>>
          %dma_start3A_128 = tpu.memref_slice %arg2[%add3A_125, %mul3A_0] : memref<200x16384xi32, #tpu.memory_space<hbm>> -> memref<1x8192xi32, #tpu.memory_space<hbm>>
          %dma_start3A_129 = tpu.memref_squeeze %dma_start3A_128 : memref<1x8192xi32, #tpu.memory_space<hbm>> -> memref<8192xi32, #tpu.memory_space<hbm>>
          tpu.enqueue_dma source(%dma_start3A_129 : memref<8192xi32, #tpu.memory_space<hbm>>) target(%arg5 : memref<8192xi32, #tpu.memory_space<vmem>>) target_semaphore(%arg10 : memref<!tpu.dma_semaphore, #tpu.memory_space<semaphore_mem>>)
        } else {
        }
        %dma_start3A_108 = arith.constant 0 : i32
        %dma_start3A_109 = tpu.memref_slice %arg9[%dma_start3A_108] : memref<1000000xf32, #tpu.memory_space<vmem_shared>> -> memref<1000000xf32, #tpu.memory_space<vmem_shared>>
        tpu.enqueue_indirect_dma source(%dma_start3A_109 : memref<1000000xf32, #tpu.memory_space<vmem_shared>>) target(%arg8 : memref<8192xf32, #tpu.memory_space<vmem>>) offsets(%arg6 : memref<8192xi32, #tpu.memory_space<vmem>>) semaphore(%arg13 : memref<!tpu.dma_semaphore, #tpu.memory_space<semaphore_mem>>)
        %dma_wait3A_110 = arith.constant 0 : i32
        %dma_wait3A_111 = tpu.memref_slice %arg9[%dma_wait3A_110] : memref<1000000xf32, #tpu.memory_space<vmem_shared>> -> memref<1000000xf32, #tpu.memory_space<vmem_shared>>
        tpu.wait_indirect_dma semaphore(%arg13 : memref<!tpu.dma_semaphore, #tpu.memory_space<semaphore_mem>>) src(%dma_wait3A_111 : memref<1000000xf32, #tpu.memory_space<vmem_shared>>) dst(%arg8 : memref<8192xf32, #tpu.memory_space<vmem>>)
        %add3A_112 = arith.constant 48 : i32
        %add3A_113 = arith.addi %arg1, %add3A_112 : i32
        %dma_wait3A_114 = tpu.memref_slice %arg4[%add3A_113, %add3A_12, %mul3A_0] : memref<200x32x16384xf32, #tpu.memory_space<hbm>> -> memref<1x1x8192xf32, #tpu.memory_space<hbm>>
        %dma_wait3A_115 = tpu.memref_squeeze %dma_wait3A_114 : memref<1x1x8192xf32, #tpu.memory_space<hbm>> -> memref<8192xf32, #tpu.memory_space<hbm>>
        %dma_wait3A_116 = tpu.memref_slice %arg4[%add3A_113, %add3A_12, %mul3A_0] : memref<200x32x16384xf32, #tpu.memory_space<hbm>> -> memref<1x1x8192xf32, #tpu.memory_space<hbm>>
        %dma_wait3A_117 = tpu.memref_squeeze %dma_wait3A_116 : memref<1x1x8192xf32, #tpu.memory_space<hbm>> -> memref<8192xf32, #tpu.memory_space<hbm>>
        tpu.wait_dma2 semaphore(%arg15 : memref<!tpu.dma_semaphore, #tpu.memory_space<semaphore_mem>>) src(%arg8 : memref<8192xf32, #tpu.memory_space<vmem>>) dst(%dma_wait3A_117 : memref<8192xf32, #tpu.memory_space<hbm>>)
        %add3A_118 = arith.constant 80 : i32
        %add3A_119 = arith.addi %arg1, %add3A_118 : i32
        %dma_start3A_120 = tpu.memref_slice %arg4[%add3A_119, %add3A_12, %mul3A_0] : memref<200x32x16384xf32, #tpu.memory_space<hbm>> -> memref<1x1x8192xf32, #tpu.memory_space<hbm>>
        %dma_start3A_121 = tpu.memref_squeeze %dma_start3A_120 : memref<1x1x8192xf32, #tpu.memory_space<hbm>> -> memref<8192xf32, #tpu.memory_space<hbm>>
        %dma_start3A_122 = tpu.memref_slice %arg4[%add3A_119, %add3A_12, %mul3A_0] : memref<200x32x16384xf32, #tpu.memory_space<hbm>> -> memref<1x1x8192xf32, #tpu.memory_space<hbm>>
        %dma_start3A_123 = tpu.memref_squeeze %dma_start3A_122 : memref<1x1x8192xf32, #tpu.memory_space<hbm>> -> memref<8192xf32, #tpu.memory_space<hbm>>
        tpu.enqueue_dma source(%arg8 : memref<8192xf32, #tpu.memory_space<vmem>>) target(%dma_start3A_123 : memref<8192xf32, #tpu.memory_space<hbm>>) target_semaphore(%arg15 : memref<!tpu.dma_semaphore, #tpu.memory_space<semaphore_mem>>)
      } else {
      }
      %gt3A_49 = arith.constant 6 : i32
      %gt3A_50 = arith.cmpi sgt, %add3A_3, %gt3A_49 : i32
      %convert_element_type3A_51 = arith.extui %gt3A_50 : i1 to i32
      %cond3A_52 = arith.constant 0 : i32
      %cond3A_53 = arith.cmpi ne, %convert_element_type3A_51, %cond3A_52 : i32
      scf.if %cond3A_53 {
        %add3A_98 = arith.constant 96 : i32
        %add3A_99 = arith.addi %arg1, %add3A_98 : i32
        %dma_wait3A = tpu.memref_slice %arg2[%add3A_99, %mul3A_0] : memref<200x16384xi32, #tpu.memory_space<hbm>> -> memref<1x8192xi32, #tpu.memory_space<hbm>>
        %dma_wait3A_100 = tpu.memref_squeeze %dma_wait3A : memref<1x8192xi32, #tpu.memory_space<hbm>> -> memref<8192xi32, #tpu.memory_space<hbm>>
        %dma_wait3A_101 = tpu.memref_slice %arg2[%add3A_99, %mul3A_0] : memref<200x16384xi32, #tpu.memory_space<hbm>> -> memref<1x8192xi32, #tpu.memory_space<hbm>>
        %dma_wait3A_102 = tpu.memref_squeeze %dma_wait3A_101 : memref<1x8192xi32, #tpu.memory_space<hbm>> -> memref<8192xi32, #tpu.memory_space<hbm>>
        tpu.wait_dma2 semaphore(%arg10 : memref<!tpu.dma_semaphore, #tpu.memory_space<semaphore_mem>>) src(%dma_wait3A_102 : memref<8192xi32, #tpu.memory_space<hbm>>) dst(%arg5 : memref<8192xi32, #tpu.memory_space<vmem>>)
        %gt3A_103 = arith.constant 7 : i32
        %gt3A_104 = arith.cmpi sgt, %add3A_3, %gt3A_103 : i32
        %convert_element_type3A_105 = arith.extui %gt3A_104 : i1 to i32
        %cond3A_106 = arith.constant 0 : i32
        %cond3A_107 = arith.cmpi ne, %convert_element_type3A_105, %cond3A_106 : i32
        scf.if %cond3A_107 {
          %add3A_124 = arith.constant 112 : i32
          %add3A_125 = arith.addi %arg1, %add3A_124 : i32
          %dma_start3A_126 = tpu.memref_slice %arg2[%add3A_125, %mul3A_0] : memref<200x16384xi32, #tpu.memory_space<hbm>> -> memref<1x8192xi32, #tpu.memory_space<hbm>>
          %dma_start3A_127 = tpu.memref_squeeze %dma_start3A_126 : memref<1x8192xi32, #tpu.memory_space<hbm>> -> memref<8192xi32, #tpu.memory_space<hbm>>
          %dma_start3A_128 = tpu.memref_slice %arg2[%add3A_125, %mul3A_0] : memref<200x16384xi32, #tpu.memory_space<hbm>> -> memref<1x8192xi32, #tpu.memory_space<hbm>>
          %dma_start3A_129 = tpu.memref_squeeze %dma_start3A_128 : memref<1x8192xi32, #tpu.memory_space<hbm>> -> memref<8192xi32, #tpu.memory_space<hbm>>
          tpu.enqueue_dma source(%dma_start3A_129 : memref<8192xi32, #tpu.memory_space<hbm>>) target(%arg6 : memref<8192xi32, #tpu.memory_space<vmem>>) target_semaphore(%arg11 : memref<!tpu.dma_semaphore, #tpu.memory_space<semaphore_mem>>)
        } else {
        }
        %dma_start3A_108 = arith.constant 0 : i32
        %dma_start3A_109 = tpu.memref_slice %arg9[%dma_start3A_108] : memref<1000000xf32, #tpu.memory_space<vmem_shared>> -> memref<1000000xf32, #tpu.memory_space<vmem_shared>>
        tpu.enqueue_indirect_dma source(%dma_start3A_109 : memref<1000000xf32, #tpu.memory_space<vmem_shared>>) target(%arg7 : memref<8192xf32, #tpu.memory_space<vmem>>) offsets(%arg5 : memref<8192xi32, #tpu.memory_space<vmem>>) semaphore(%arg12 : memref<!tpu.dma_semaphore, #tpu.memory_space<semaphore_mem>>)
        %dma_wait3A_110 = arith.constant 0 : i32
        %dma_wait3A_111 = tpu.memref_slice %arg9[%dma_wait3A_110] : memref<1000000xf32, #tpu.memory_space<vmem_shared>> -> memref<1000000xf32, #tpu.memory_space<vmem_shared>>
        tpu.wait_indirect_dma semaphore(%arg12 : memref<!tpu.dma_semaphore, #tpu.memory_space<semaphore_mem>>) src(%dma_wait3A_111 : memref<1000000xf32, #tpu.memory_space<vmem_shared>>) dst(%arg7 : memref<8192xf32, #tpu.memory_space<vmem>>)
        %add3A_112 = arith.constant 64 : i32
        %add3A_113 = arith.addi %arg1, %add3A_112 : i32
        %dma_wait3A_114 = tpu.memref_slice %arg4[%add3A_113, %add3A_12, %mul3A_0] : memref<200x32x16384xf32, #tpu.memory_space<hbm>> -> memref<1x1x8192xf32, #tpu.memory_space<hbm>>
        %dma_wait3A_115 = tpu.memref_squeeze %dma_wait3A_114 : memref<1x1x8192xf32, #tpu.memory_space<hbm>> -> memref<8192xf32, #tpu.memory_space<hbm>>
        %dma_wait3A_116 = tpu.memref_slice %arg4[%add3A_113, %add3A_12, %mul3A_0] : memref<200x32x16384xf32, #tpu.memory_space<hbm>> -> memref<1x1x8192xf32, #tpu.memory_space<hbm>>
        %dma_wait3A_117 = tpu.memref_squeeze %dma_wait3A_116 : memref<1x1x8192xf32, #tpu.memory_space<hbm>> -> memref<8192xf32, #tpu.memory_space<hbm>>
        tpu.wait_dma2 semaphore(%arg14 : memref<!tpu.dma_semaphore, #tpu.memory_space<semaphore_mem>>) src(%arg7 : memref<8192xf32, #tpu.memory_space<vmem>>) dst(%dma_wait3A_117 : memref<8192xf32, #tpu.memory_space<hbm>>)
        %add3A_118 = arith.constant 96 : i32
        %add3A_119 = arith.addi %arg1, %add3A_118 : i32
        %dma_start3A_120 = tpu.memref_slice %arg4[%add3A_119, %add3A_12, %mul3A_0] : memref<200x32x16384xf32, #tpu.memory_space<hbm>> -> memref<1x1x8192xf32, #tpu.memory_space<hbm>>
        %dma_start3A_121 = tpu.memref_squeeze %dma_start3A_120 : memref<1x1x8192xf32, #tpu.memory_space<hbm>> -> memref<8192xf32, #tpu.memory_space<hbm>>
        %dma_start3A_122 = tpu.memref_slice %arg4[%add3A_119, %add3A_12, %mul3A_0] : memref<200x32x16384xf32, #tpu.memory_space<hbm>> -> memref<1x1x8192xf32, #tpu.memory_space<hbm>>
        %dma_start3A_123 = tpu.memref_squeeze %dma_start3A_122 : memref<1x1x8192xf32, #tpu.memory_space<hbm>> -> memref<8192xf32, #tpu.memory_space<hbm>>
        tpu.enqueue_dma source(%arg7 : memref<8192xf32, #tpu.memory_space<vmem>>) target(%dma_start3A_123 : memref<8192xf32, #tpu.memory_space<hbm>>) target_semaphore(%arg14 : memref<!tpu.dma_semaphore, #tpu.memory_space<semaphore_mem>>)
      } else {
      }
      %gt3A_54 = arith.constant 7 : i32
      %gt3A_55 = arith.cmpi sgt, %add3A_3, %gt3A_54 : i32
      %convert_element_type3A_56 = arith.extui %gt3A_55 : i1 to i32
      %cond3A_57 = arith.constant 0 : i32
      %cond3A_58 = arith.cmpi ne, %convert_element_type3A_56, %cond3A_57 : i32
      scf.if %cond3A_58 {
        %add3A_98 = arith.constant 112 : i32
        %add3A_99 = arith.addi %arg1, %add3A_98 : i32
        %dma_wait3A = tpu.memref_slice %arg2[%add3A_99, %mul3A_0] : memref<200x16384xi32, #tpu.memory_space<hbm>> -> memref<1x8192xi32, #tpu.memory_space<hbm>>
        %dma_wait3A_100 = tpu.memref_squeeze %dma_wait3A : memref<1x8192xi32, #tpu.memory_space<hbm>> -> memref<8192xi32, #tpu.memory_space<hbm>>
        %dma_wait3A_101 = tpu.memref_slice %arg2[%add3A_99, %mul3A_0] : memref<200x16384xi32, #tpu.memory_space<hbm>> -> memref<1x8192xi32, #tpu.memory_space<hbm>>
        %dma_wait3A_102 = tpu.memref_squeeze %dma_wait3A_101 : memref<1x8192xi32, #tpu.memory_space<hbm>> -> memref<8192xi32, #tpu.memory_space<hbm>>
        tpu.wait_dma2 semaphore(%arg11 : memref<!tpu.dma_semaphore, #tpu.memory_space<semaphore_mem>>) src(%dma_wait3A_102 : memref<8192xi32, #tpu.memory_space<hbm>>) dst(%arg6 : memref<8192xi32, #tpu.memory_space<vmem>>)
        %gt3A_103 = arith.constant 8 : i32
        %gt3A_104 = arith.cmpi sgt, %add3A_3, %gt3A_103 : i32
        %convert_element_type3A_105 = arith.extui %gt3A_104 : i1 to i32
        %cond3A_106 = arith.constant 0 : i32
        %cond3A_107 = arith.cmpi ne, %convert_element_type3A_105, %cond3A_106 : i32
        scf.if %cond3A_107 {
          %add3A_124 = arith.constant 128 : i32
          %add3A_125 = arith.addi %arg1, %add3A_124 : i32
          %dma_start3A_126 = tpu.memref_slice %arg2[%add3A_125, %mul3A_0] : memref<200x16384xi32, #tpu.memory_space<hbm>> -> memref<1x8192xi32, #tpu.memory_space<hbm>>
          %dma_start3A_127 = tpu.memref_squeeze %dma_start3A_126 : memref<1x8192xi32, #tpu.memory_space<hbm>> -> memref<8192xi32, #tpu.memory_space<hbm>>
          %dma_start3A_128 = tpu.memref_slice %arg2[%add3A_125, %mul3A_0] : memref<200x16384xi32, #tpu.memory_space<hbm>> -> memref<1x8192xi32, #tpu.memory_space<hbm>>
          %dma_start3A_129 = tpu.memref_squeeze %dma_start3A_128 : memref<1x8192xi32, #tpu.memory_space<hbm>> -> memref<8192xi32, #tpu.memory_space<hbm>>
          tpu.enqueue_dma source(%dma_start3A_129 : memref<8192xi32, #tpu.memory_space<hbm>>) target(%arg5 : memref<8192xi32, #tpu.memory_space<vmem>>) target_semaphore(%arg10 : memref<!tpu.dma_semaphore, #tpu.memory_space<semaphore_mem>>)
        } else {
        }
        %dma_start3A_108 = arith.constant 0 : i32
        %dma_start3A_109 = tpu.memref_slice %arg9[%dma_start3A_108] : memref<1000000xf32, #tpu.memory_space<vmem_shared>> -> memref<1000000xf32, #tpu.memory_space<vmem_shared>>
        tpu.enqueue_indirect_dma source(%dma_start3A_109 : memref<1000000xf32, #tpu.memory_space<vmem_shared>>) target(%arg8 : memref<8192xf32, #tpu.memory_space<vmem>>) offsets(%arg6 : memref<8192xi32, #tpu.memory_space<vmem>>) semaphore(%arg13 : memref<!tpu.dma_semaphore, #tpu.memory_space<semaphore_mem>>)
        %dma_wait3A_110 = arith.constant 0 : i32
        %dma_wait3A_111 = tpu.memref_slice %arg9[%dma_wait3A_110] : memref<1000000xf32, #tpu.memory_space<vmem_shared>> -> memref<1000000xf32, #tpu.memory_space<vmem_shared>>
        tpu.wait_indirect_dma semaphore(%arg13 : memref<!tpu.dma_semaphore, #tpu.memory_space<semaphore_mem>>) src(%dma_wait3A_111 : memref<1000000xf32, #tpu.memory_space<vmem_shared>>) dst(%arg8 : memref<8192xf32, #tpu.memory_space<vmem>>)
        %add3A_112 = arith.constant 80 : i32
        %add3A_113 = arith.addi %arg1, %add3A_112 : i32
        %dma_wait3A_114 = tpu.memref_slice %arg4[%add3A_113, %add3A_12, %mul3A_0] : memref<200x32x16384xf32, #tpu.memory_space<hbm>> -> memref<1x1x8192xf32, #tpu.memory_space<hbm>>
        %dma_wait3A_115 = tpu.memref_squeeze %dma_wait3A_114 : memref<1x1x8192xf32, #tpu.memory_space<hbm>> -> memref<8192xf32, #tpu.memory_space<hbm>>
        %dma_wait3A_116 = tpu.memref_slice %arg4[%add3A_113, %add3A_12, %mul3A_0] : memref<200x32x16384xf32, #tpu.memory_space<hbm>> -> memref<1x1x8192xf32, #tpu.memory_space<hbm>>
        %dma_wait3A_117 = tpu.memref_squeeze %dma_wait3A_116 : memref<1x1x8192xf32, #tpu.memory_space<hbm>> -> memref<8192xf32, #tpu.memory_space<hbm>>
        tpu.wait_dma2 semaphore(%arg15 : memref<!tpu.dma_semaphore, #tpu.memory_space<semaphore_mem>>) src(%arg8 : memref<8192xf32, #tpu.memory_space<vmem>>) dst(%dma_wait3A_117 : memref<8192xf32, #tpu.memory_space<hbm>>)
        %add3A_118 = arith.constant 112 : i32
        %add3A_119 = arith.addi %arg1, %add3A_118 : i32
        %dma_start3A_120 = tpu.memref_slice %arg4[%add3A_119, %add3A_12, %mul3A_0] : memref<200x32x16384xf32, #tpu.memory_space<hbm>> -> memref<1x1x8192xf32, #tpu.memory_space<hbm>>
        %dma_start3A_121 = tpu.memref_squeeze %dma_start3A_120 : memref<1x1x8192xf32, #tpu.memory_space<hbm>> -> memref<8192xf32, #tpu.memory_space<hbm>>
        %dma_start3A_122 = tpu.memref_slice %arg4[%add3A_119, %add3A_12, %mul3A_0] : memref<200x32x16384xf32, #tpu.memory_space<hbm>> -> memref<1x1x8192xf32, #tpu.memory_space<hbm>>
        %dma_start3A_123 = tpu.memref_squeeze %dma_start3A_122 : memref<1x1x8192xf32, #tpu.memory_space<hbm>> -> memref<8192xf32, #tpu.memory_space<hbm>>
        tpu.enqueue_dma source(%arg8 : memref<8192xf32, #tpu.memory_space<vmem>>) target(%dma_start3A_123 : memref<8192xf32, #tpu.memory_space<hbm>>) target_semaphore(%arg15 : memref<!tpu.dma_semaphore, #tpu.memory_space<semaphore_mem>>)
      } else {
      }
      %gt3A_59 = arith.constant 8 : i32
      %gt3A_60 = arith.cmpi sgt, %add3A_3, %gt3A_59 : i32
      %convert_element_type3A_61 = arith.extui %gt3A_60 : i1 to i32
      %cond3A_62 = arith.constant 0 : i32
      %cond3A_63 = arith.cmpi ne, %convert_element_type3A_61, %cond3A_62 : i32
      scf.if %cond3A_63 {
        %add3A_98 = arith.constant 128 : i32
        %add3A_99 = arith.addi %arg1, %add3A_98 : i32
        %dma_wait3A = tpu.memref_slice %arg2[%add3A_99, %mul3A_0] : memref<200x16384xi32, #tpu.memory_space<hbm>> -> memref<1x8192xi32, #tpu.memory_space<hbm>>
        %dma_wait3A_100 = tpu.memref_squeeze %dma_wait3A : memref<1x8192xi32, #tpu.memory_space<hbm>> -> memref<8192xi32, #tpu.memory_space<hbm>>
        %dma_wait3A_101 = tpu.memref_slice %arg2[%add3A_99, %mul3A_0] : memref<200x16384xi32, #tpu.memory_space<hbm>> -> memref<1x8192xi32, #tpu.memory_space<hbm>>
        %dma_wait3A_102 = tpu.memref_squeeze %dma_wait3A_101 : memref<1x8192xi32, #tpu.memory_space<hbm>> -> memref<8192xi32, #tpu.memory_space<hbm>>
        tpu.wait_dma2 semaphore(%arg10 : memref<!tpu.dma_semaphore, #tpu.memory_space<semaphore_mem>>) src(%dma_wait3A_102 : memref<8192xi32, #tpu.memory_space<hbm>>) dst(%arg5 : memref<8192xi32, #tpu.memory_space<vmem>>)
        %gt3A_103 = arith.constant 9 : i32
        %gt3A_104 = arith.cmpi sgt, %add3A_3, %gt3A_103 : i32
        %convert_element_type3A_105 = arith.extui %gt3A_104 : i1 to i32
        %cond3A_106 = arith.constant 0 : i32
        %cond3A_107 = arith.cmpi ne, %convert_element_type3A_105, %cond3A_106 : i32
        scf.if %cond3A_107 {
          %add3A_124 = arith.constant 144 : i32
          %add3A_125 = arith.addi %arg1, %add3A_124 : i32
          %dma_start3A_126 = tpu.memref_slice %arg2[%add3A_125, %mul3A_0] : memref<200x16384xi32, #tpu.memory_space<hbm>> -> memref<1x8192xi32, #tpu.memory_space<hbm>>
          %dma_start3A_127 = tpu.memref_squeeze %dma_start3A_126 : memref<1x8192xi32, #tpu.memory_space<hbm>> -> memref<8192xi32, #tpu.memory_space<hbm>>
          %dma_start3A_128 = tpu.memref_slice %arg2[%add3A_125, %mul3A_0] : memref<200x16384xi32, #tpu.memory_space<hbm>> -> memref<1x8192xi32, #tpu.memory_space<hbm>>
          %dma_start3A_129 = tpu.memref_squeeze %dma_start3A_128 : memref<1x8192xi32, #tpu.memory_space<hbm>> -> memref<8192xi32, #tpu.memory_space<hbm>>
          tpu.enqueue_dma source(%dma_start3A_129 : memref<8192xi32, #tpu.memory_space<hbm>>) target(%arg6 : memref<8192xi32, #tpu.memory_space<vmem>>) target_semaphore(%arg11 : memref<!tpu.dma_semaphore, #tpu.memory_space<semaphore_mem>>)
        } else {
        }
        %dma_start3A_108 = arith.constant 0 : i32
        %dma_start3A_109 = tpu.memref_slice %arg9[%dma_start3A_108] : memref<1000000xf32, #tpu.memory_space<vmem_shared>> -> memref<1000000xf32, #tpu.memory_space<vmem_shared>>
        tpu.enqueue_indirect_dma source(%dma_start3A_109 : memref<1000000xf32, #tpu.memory_space<vmem_shared>>) target(%arg7 : memref<8192xf32, #tpu.memory_space<vmem>>) offsets(%arg5 : memref<8192xi32, #tpu.memory_space<vmem>>) semaphore(%arg12 : memref<!tpu.dma_semaphore, #tpu.memory_space<semaphore_mem>>)
        %dma_wait3A_110 = arith.constant 0 : i32
        %dma_wait3A_111 = tpu.memref_slice %arg9[%dma_wait3A_110] : memref<1000000xf32, #tpu.memory_space<vmem_shared>> -> memref<1000000xf32, #tpu.memory_space<vmem_shared>>
        tpu.wait_indirect_dma semaphore(%arg12 : memref<!tpu.dma_semaphore, #tpu.memory_space<semaphore_mem>>) src(%dma_wait3A_111 : memref<1000000xf32, #tpu.memory_space<vmem_shared>>) dst(%arg7 : memref<8192xf32, #tpu.memory_space<vmem>>)
        %add3A_112 = arith.constant 96 : i32
        %add3A_113 = arith.addi %arg1, %add3A_112 : i32
        %dma_wait3A_114 = tpu.memref_slice %arg4[%add3A_113, %add3A_12, %mul3A_0] : memref<200x32x16384xf32, #tpu.memory_space<hbm>> -> memref<1x1x8192xf32, #tpu.memory_space<hbm>>
        %dma_wait3A_115 = tpu.memref_squeeze %dma_wait3A_114 : memref<1x1x8192xf32, #tpu.memory_space<hbm>> -> memref<8192xf32, #tpu.memory_space<hbm>>
        %dma_wait3A_116 = tpu.memref_slice %arg4[%add3A_113, %add3A_12, %mul3A_0] : memref<200x32x16384xf32, #tpu.memory_space<hbm>> -> memref<1x1x8192xf32, #tpu.memory_space<hbm>>
        %dma_wait3A_117 = tpu.memref_squeeze %dma_wait3A_116 : memref<1x1x8192xf32, #tpu.memory_space<hbm>> -> memref<8192xf32, #tpu.memory_space<hbm>>
        tpu.wait_dma2 semaphore(%arg14 : memref<!tpu.dma_semaphore, #tpu.memory_space<semaphore_mem>>) src(%arg7 : memref<8192xf32, #tpu.memory_space<vmem>>) dst(%dma_wait3A_117 : memref<8192xf32, #tpu.memory_space<hbm>>)
        %add3A_118 = arith.constant 128 : i32
        %add3A_119 = arith.addi %arg1, %add3A_118 : i32
        %dma_start3A_120 = tpu.memref_slice %arg4[%add3A_119, %add3A_12, %mul3A_0] : memref<200x32x16384xf32, #tpu.memory_space<hbm>> -> memref<1x1x8192xf32, #tpu.memory_space<hbm>>
        %dma_start3A_121 = tpu.memref_squeeze %dma_start3A_120 : memref<1x1x8192xf32, #tpu.memory_space<hbm>> -> memref<8192xf32, #tpu.memory_space<hbm>>
        %dma_start3A_122 = tpu.memref_slice %arg4[%add3A_119, %add3A_12, %mul3A_0] : memref<200x32x16384xf32, #tpu.memory_space<hbm>> -> memref<1x1x8192xf32, #tpu.memory_space<hbm>>
        %dma_start3A_123 = tpu.memref_squeeze %dma_start3A_122 : memref<1x1x8192xf32, #tpu.memory_space<hbm>> -> memref<8192xf32, #tpu.memory_space<hbm>>
        tpu.enqueue_dma source(%arg7 : memref<8192xf32, #tpu.memory_space<vmem>>) target(%dma_start3A_123 : memref<8192xf32, #tpu.memory_space<hbm>>) target_semaphore(%arg14 : memref<!tpu.dma_semaphore, #tpu.memory_space<semaphore_mem>>)
      } else {
      }
      %gt3A_64 = arith.constant 9 : i32
      %gt3A_65 = arith.cmpi sgt, %add3A_3, %gt3A_64 : i32
      %convert_element_type3A_66 = arith.extui %gt3A_65 : i1 to i32
      %cond3A_67 = arith.constant 0 : i32
      %cond3A_68 = arith.cmpi ne, %convert_element_type3A_66, %cond3A_67 : i32
      scf.if %cond3A_68 {
        %add3A_98 = arith.constant 144 : i32
        %add3A_99 = arith.addi %arg1, %add3A_98 : i32
        %dma_wait3A = tpu.memref_slice %arg2[%add3A_99, %mul3A_0] : memref<200x16384xi32, #tpu.memory_space<hbm>> -> memref<1x8192xi32, #tpu.memory_space<hbm>>
        %dma_wait3A_100 = tpu.memref_squeeze %dma_wait3A : memref<1x8192xi32, #tpu.memory_space<hbm>> -> memref<8192xi32, #tpu.memory_space<hbm>>
        %dma_wait3A_101 = tpu.memref_slice %arg2[%add3A_99, %mul3A_0] : memref<200x16384xi32, #tpu.memory_space<hbm>> -> memref<1x8192xi32, #tpu.memory_space<hbm>>
        %dma_wait3A_102 = tpu.memref_squeeze %dma_wait3A_101 : memref<1x8192xi32, #tpu.memory_space<hbm>> -> memref<8192xi32, #tpu.memory_space<hbm>>
        tpu.wait_dma2 semaphore(%arg11 : memref<!tpu.dma_semaphore, #tpu.memory_space<semaphore_mem>>) src(%dma_wait3A_102 : memref<8192xi32, #tpu.memory_space<hbm>>) dst(%arg6 : memref<8192xi32, #tpu.memory_space<vmem>>)
        %gt3A_103 = arith.constant 10 : i32
        %gt3A_104 = arith.cmpi sgt, %add3A_3, %gt3A_103 : i32
        %convert_element_type3A_105 = arith.extui %gt3A_104 : i1 to i32
        %cond3A_106 = arith.constant 0 : i32
        %cond3A_107 = arith.cmpi ne, %convert_element_type3A_105, %cond3A_106 : i32
        scf.if %cond3A_107 {
          %add3A_124 = arith.constant 160 : i32
          %add3A_125 = arith.addi %arg1, %add3A_124 : i32
          %dma_start3A_126 = tpu.memref_slice %arg2[%add3A_125, %mul3A_0] : memref<200x16384xi32, #tpu.memory_space<hbm>> -> memref<1x8192xi32, #tpu.memory_space<hbm>>
          %dma_start3A_127 = tpu.memref_squeeze %dma_start3A_126 : memref<1x8192xi32, #tpu.memory_space<hbm>> -> memref<8192xi32, #tpu.memory_space<hbm>>
          %dma_start3A_128 = tpu.memref_slice %arg2[%add3A_125, %mul3A_0] : memref<200x16384xi32, #tpu.memory_space<hbm>> -> memref<1x8192xi32, #tpu.memory_space<hbm>>
          %dma_start3A_129 = tpu.memref_squeeze %dma_start3A_128 : memref<1x8192xi32, #tpu.memory_space<hbm>> -> memref<8192xi32, #tpu.memory_space<hbm>>
          tpu.enqueue_dma source(%dma_start3A_129 : memref<8192xi32, #tpu.memory_space<hbm>>) target(%arg5 : memref<8192xi32, #tpu.memory_space<vmem>>) target_semaphore(%arg10 : memref<!tpu.dma_semaphore, #tpu.memory_space<semaphore_mem>>)
        } else {
        }
        %dma_start3A_108 = arith.constant 0 : i32
        %dma_start3A_109 = tpu.memref_slice %arg9[%dma_start3A_108] : memref<1000000xf32, #tpu.memory_space<vmem_shared>> -> memref<1000000xf32, #tpu.memory_space<vmem_shared>>
        tpu.enqueue_indirect_dma source(%dma_start3A_109 : memref<1000000xf32, #tpu.memory_space<vmem_shared>>) target(%arg8 : memref<8192xf32, #tpu.memory_space<vmem>>) offsets(%arg6 : memref<8192xi32, #tpu.memory_space<vmem>>) semaphore(%arg13 : memref<!tpu.dma_semaphore, #tpu.memory_space<semaphore_mem>>)
        %dma_wait3A_110 = arith.constant 0 : i32
        %dma_wait3A_111 = tpu.memref_slice %arg9[%dma_wait3A_110] : memref<1000000xf32, #tpu.memory_space<vmem_shared>> -> memref<1000000xf32, #tpu.memory_space<vmem_shared>>
        tpu.wait_indirect_dma semaphore(%arg13 : memref<!tpu.dma_semaphore, #tpu.memory_space<semaphore_mem>>) src(%dma_wait3A_111 : memref<1000000xf32, #tpu.memory_space<vmem_shared>>) dst(%arg8 : memref<8192xf32, #tpu.memory_space<vmem>>)
        %add3A_112 = arith.constant 112 : i32
        %add3A_113 = arith.addi %arg1, %add3A_112 : i32
        %dma_wait3A_114 = tpu.memref_slice %arg4[%add3A_113, %add3A_12, %mul3A_0] : memref<200x32x16384xf32, #tpu.memory_space<hbm>> -> memref<1x1x8192xf32, #tpu.memory_space<hbm>>
        %dma_wait3A_115 = tpu.memref_squeeze %dma_wait3A_114 : memref<1x1x8192xf32, #tpu.memory_space<hbm>> -> memref<8192xf32, #tpu.memory_space<hbm>>
        %dma_wait3A_116 = tpu.memref_slice %arg4[%add3A_113, %add3A_12, %mul3A_0] : memref<200x32x16384xf32, #tpu.memory_space<hbm>> -> memref<1x1x8192xf32, #tpu.memory_space<hbm>>
        %dma_wait3A_117 = tpu.memref_squeeze %dma_wait3A_116 : memref<1x1x8192xf32, #tpu.memory_space<hbm>> -> memref<8192xf32, #tpu.memory_space<hbm>>
        tpu.wait_dma2 semaphore(%arg15 : memref<!tpu.dma_semaphore, #tpu.memory_space<semaphore_mem>>) src(%arg8 : memref<8192xf32, #tpu.memory_space<vmem>>) dst(%dma_wait3A_117 : memref<8192xf32, #tpu.memory_space<hbm>>)
        %add3A_118 = arith.constant 144 : i32
        %add3A_119 = arith.addi %arg1, %add3A_118 : i32
        %dma_start3A_120 = tpu.memref_slice %arg4[%add3A_119, %add3A_12, %mul3A_0] : memref<200x32x16384xf32, #tpu.memory_space<hbm>> -> memref<1x1x8192xf32, #tpu.memory_space<hbm>>
        %dma_start3A_121 = tpu.memref_squeeze %dma_start3A_120 : memref<1x1x8192xf32, #tpu.memory_space<hbm>> -> memref<8192xf32, #tpu.memory_space<hbm>>
        %dma_start3A_122 = tpu.memref_slice %arg4[%add3A_119, %add3A_12, %mul3A_0] : memref<200x32x16384xf32, #tpu.memory_space<hbm>> -> memref<1x1x8192xf32, #tpu.memory_space<hbm>>
        %dma_start3A_123 = tpu.memref_squeeze %dma_start3A_122 : memref<1x1x8192xf32, #tpu.memory_space<hbm>> -> memref<8192xf32, #tpu.memory_space<hbm>>
        tpu.enqueue_dma source(%arg8 : memref<8192xf32, #tpu.memory_space<vmem>>) target(%dma_start3A_123 : memref<8192xf32, #tpu.memory_space<hbm>>) target_semaphore(%arg15 : memref<!tpu.dma_semaphore, #tpu.memory_space<semaphore_mem>>)
      } else {
      }
      %gt3A_69 = arith.constant 10 : i32
      %gt3A_70 = arith.cmpi sgt, %add3A_3, %gt3A_69 : i32
      %convert_element_type3A_71 = arith.extui %gt3A_70 : i1 to i32
      %cond3A_72 = arith.constant 0 : i32
      %cond3A_73 = arith.cmpi ne, %convert_element_type3A_71, %cond3A_72 : i32
      scf.if %cond3A_73 {
        %add3A_98 = arith.constant 160 : i32
        %add3A_99 = arith.addi %arg1, %add3A_98 : i32
        %dma_wait3A = tpu.memref_slice %arg2[%add3A_99, %mul3A_0] : memref<200x16384xi32, #tpu.memory_space<hbm>> -> memref<1x8192xi32, #tpu.memory_space<hbm>>
        %dma_wait3A_100 = tpu.memref_squeeze %dma_wait3A : memref<1x8192xi32, #tpu.memory_space<hbm>> -> memref<8192xi32, #tpu.memory_space<hbm>>
        %dma_wait3A_101 = tpu.memref_slice %arg2[%add3A_99, %mul3A_0] : memref<200x16384xi32, #tpu.memory_space<hbm>> -> memref<1x8192xi32, #tpu.memory_space<hbm>>
        %dma_wait3A_102 = tpu.memref_squeeze %dma_wait3A_101 : memref<1x8192xi32, #tpu.memory_space<hbm>> -> memref<8192xi32, #tpu.memory_space<hbm>>
        tpu.wait_dma2 semaphore(%arg10 : memref<!tpu.dma_semaphore, #tpu.memory_space<semaphore_mem>>) src(%dma_wait3A_102 : memref<8192xi32, #tpu.memory_space<hbm>>) dst(%arg5 : memref<8192xi32, #tpu.memory_space<vmem>>)
        %gt3A_103 = arith.constant 11 : i32
        %gt3A_104 = arith.cmpi sgt, %add3A_3, %gt3A_103 : i32
        %convert_element_type3A_105 = arith.extui %gt3A_104 : i1 to i32
        %cond3A_106 = arith.constant 0 : i32
        %cond3A_107 = arith.cmpi ne, %convert_element_type3A_105, %cond3A_106 : i32
        scf.if %cond3A_107 {
          %add3A_124 = arith.constant 176 : i32
          %add3A_125 = arith.addi %arg1, %add3A_124 : i32
          %dma_start3A_126 = tpu.memref_slice %arg2[%add3A_125, %mul3A_0] : memref<200x16384xi32, #tpu.memory_space<hbm>> -> memref<1x8192xi32, #tpu.memory_space<hbm>>
          %dma_start3A_127 = tpu.memref_squeeze %dma_start3A_126 : memref<1x8192xi32, #tpu.memory_space<hbm>> -> memref<8192xi32, #tpu.memory_space<hbm>>
          %dma_start3A_128 = tpu.memref_slice %arg2[%add3A_125, %mul3A_0] : memref<200x16384xi32, #tpu.memory_space<hbm>> -> memref<1x8192xi32, #tpu.memory_space<hbm>>
          %dma_start3A_129 = tpu.memref_squeeze %dma_start3A_128 : memref<1x8192xi32, #tpu.memory_space<hbm>> -> memref<8192xi32, #tpu.memory_space<hbm>>
          tpu.enqueue_dma source(%dma_start3A_129 : memref<8192xi32, #tpu.memory_space<hbm>>) target(%arg6 : memref<8192xi32, #tpu.memory_space<vmem>>) target_semaphore(%arg11 : memref<!tpu.dma_semaphore, #tpu.memory_space<semaphore_mem>>)
        } else {
        }
        %dma_start3A_108 = arith.constant 0 : i32
        %dma_start3A_109 = tpu.memref_slice %arg9[%dma_start3A_108] : memref<1000000xf32, #tpu.memory_space<vmem_shared>> -> memref<1000000xf32, #tpu.memory_space<vmem_shared>>
        tpu.enqueue_indirect_dma source(%dma_start3A_109 : memref<1000000xf32, #tpu.memory_space<vmem_shared>>) target(%arg7 : memref<8192xf32, #tpu.memory_space<vmem>>) offsets(%arg5 : memref<8192xi32, #tpu.memory_space<vmem>>) semaphore(%arg12 : memref<!tpu.dma_semaphore, #tpu.memory_space<semaphore_mem>>)
        %dma_wait3A_110 = arith.constant 0 : i32
        %dma_wait3A_111 = tpu.memref_slice %arg9[%dma_wait3A_110] : memref<1000000xf32, #tpu.memory_space<vmem_shared>> -> memref<1000000xf32, #tpu.memory_space<vmem_shared>>
        tpu.wait_indirect_dma semaphore(%arg12 : memref<!tpu.dma_semaphore, #tpu.memory_space<semaphore_mem>>) src(%dma_wait3A_111 : memref<1000000xf32, #tpu.memory_space<vmem_shared>>) dst(%arg7 : memref<8192xf32, #tpu.memory_space<vmem>>)
        %add3A_112 = arith.constant 128 : i32
        %add3A_113 = arith.addi %arg1, %add3A_112 : i32
        %dma_wait3A_114 = tpu.memref_slice %arg4[%add3A_113, %add3A_12, %mul3A_0] : memref<200x32x16384xf32, #tpu.memory_space<hbm>> -> memref<1x1x8192xf32, #tpu.memory_space<hbm>>
        %dma_wait3A_115 = tpu.memref_squeeze %dma_wait3A_114 : memref<1x1x8192xf32, #tpu.memory_space<hbm>> -> memref<8192xf32, #tpu.memory_space<hbm>>
        %dma_wait3A_116 = tpu.memref_slice %arg4[%add3A_113, %add3A_12, %mul3A_0] : memref<200x32x16384xf32, #tpu.memory_space<hbm>> -> memref<1x1x8192xf32, #tpu.memory_space<hbm>>
        %dma_wait3A_117 = tpu.memref_squeeze %dma_wait3A_116 : memref<1x1x8192xf32, #tpu.memory_space<hbm>> -> memref<8192xf32, #tpu.memory_space<hbm>>
        tpu.wait_dma2 semaphore(%arg14 : memref<!tpu.dma_semaphore, #tpu.memory_space<semaphore_mem>>) src(%arg7 : memref<8192xf32, #tpu.memory_space<vmem>>) dst(%dma_wait3A_117 : memref<8192xf32, #tpu.memory_space<hbm>>)
        %add3A_118 = arith.constant 160 : i32
        %add3A_119 = arith.addi %arg1, %add3A_118 : i32
        %dma_start3A_120 = tpu.memref_slice %arg4[%add3A_119, %add3A_12, %mul3A_0] : memref<200x32x16384xf32, #tpu.memory_space<hbm>> -> memref<1x1x8192xf32, #tpu.memory_space<hbm>>
        %dma_start3A_121 = tpu.memref_squeeze %dma_start3A_120 : memref<1x1x8192xf32, #tpu.memory_space<hbm>> -> memref<8192xf32, #tpu.memory_space<hbm>>
        %dma_start3A_122 = tpu.memref_slice %arg4[%add3A_119, %add3A_12, %mul3A_0] : memref<200x32x16384xf32, #tpu.memory_space<hbm>> -> memref<1x1x8192xf32, #tpu.memory_space<hbm>>
        %dma_start3A_123 = tpu.memref_squeeze %dma_start3A_122 : memref<1x1x8192xf32, #tpu.memory_space<hbm>> -> memref<8192xf32, #tpu.memory_space<hbm>>
        tpu.enqueue_dma source(%arg7 : memref<8192xf32, #tpu.memory_space<vmem>>) target(%dma_start3A_123 : memref<8192xf32, #tpu.memory_space<hbm>>) target_semaphore(%arg14 : memref<!tpu.dma_semaphore, #tpu.memory_space<semaphore_mem>>)
      } else {
      }
      %gt3A_74 = arith.constant 11 : i32
      %gt3A_75 = arith.cmpi sgt, %add3A_3, %gt3A_74 : i32
      %convert_element_type3A_76 = arith.extui %gt3A_75 : i1 to i32
      %cond3A_77 = arith.constant 0 : i32
      %cond3A_78 = arith.cmpi ne, %convert_element_type3A_76, %cond3A_77 : i32
      scf.if %cond3A_78 {
        %add3A_98 = arith.constant 176 : i32
        %add3A_99 = arith.addi %arg1, %add3A_98 : i32
        %dma_wait3A = tpu.memref_slice %arg2[%add3A_99, %mul3A_0] : memref<200x16384xi32, #tpu.memory_space<hbm>> -> memref<1x8192xi32, #tpu.memory_space<hbm>>
        %dma_wait3A_100 = tpu.memref_squeeze %dma_wait3A : memref<1x8192xi32, #tpu.memory_space<hbm>> -> memref<8192xi32, #tpu.memory_space<hbm>>
        %dma_wait3A_101 = tpu.memref_slice %arg2[%add3A_99, %mul3A_0] : memref<200x16384xi32, #tpu.memory_space<hbm>> -> memref<1x8192xi32, #tpu.memory_space<hbm>>
        %dma_wait3A_102 = tpu.memref_squeeze %dma_wait3A_101 : memref<1x8192xi32, #tpu.memory_space<hbm>> -> memref<8192xi32, #tpu.memory_space<hbm>>
        tpu.wait_dma2 semaphore(%arg11 : memref<!tpu.dma_semaphore, #tpu.memory_space<semaphore_mem>>) src(%dma_wait3A_102 : memref<8192xi32, #tpu.memory_space<hbm>>) dst(%arg6 : memref<8192xi32, #tpu.memory_space<vmem>>)
        %gt3A_103 = arith.constant 12 : i32
        %gt3A_104 = arith.cmpi sgt, %add3A_3, %gt3A_103 : i32
        %convert_element_type3A_105 = arith.extui %gt3A_104 : i1 to i32
        %cond3A_106 = arith.constant 0 : i32
        %cond3A_107 = arith.cmpi ne, %convert_element_type3A_105, %cond3A_106 : i32
        scf.if %cond3A_107 {
          %add3A_124 = arith.constant 192 : i32
          %add3A_125 = arith.addi %arg1, %add3A_124 : i32
          %dma_start3A_126 = tpu.memref_slice %arg2[%add3A_125, %mul3A_0] : memref<200x16384xi32, #tpu.memory_space<hbm>> -> memref<1x8192xi32, #tpu.memory_space<hbm>>
          %dma_start3A_127 = tpu.memref_squeeze %dma_start3A_126 : memref<1x8192xi32, #tpu.memory_space<hbm>> -> memref<8192xi32, #tpu.memory_space<hbm>>
          %dma_start3A_128 = tpu.memref_slice %arg2[%add3A_125, %mul3A_0] : memref<200x16384xi32, #tpu.memory_space<hbm>> -> memref<1x8192xi32, #tpu.memory_space<hbm>>
          %dma_start3A_129 = tpu.memref_squeeze %dma_start3A_128 : memref<1x8192xi32, #tpu.memory_space<hbm>> -> memref<8192xi32, #tpu.memory_space<hbm>>
          tpu.enqueue_dma source(%dma_start3A_129 : memref<8192xi32, #tpu.memory_space<hbm>>) target(%arg5 : memref<8192xi32, #tpu.memory_space<vmem>>) target_semaphore(%arg10 : memref<!tpu.dma_semaphore, #tpu.memory_space<semaphore_mem>>)
        } else {
        }
        %dma_start3A_108 = arith.constant 0 : i32
        %dma_start3A_109 = tpu.memref_slice %arg9[%dma_start3A_108] : memref<1000000xf32, #tpu.memory_space<vmem_shared>> -> memref<1000000xf32, #tpu.memory_space<vmem_shared>>
        tpu.enqueue_indirect_dma source(%dma_start3A_109 : memref<1000000xf32, #tpu.memory_space<vmem_shared>>) target(%arg8 : memref<8192xf32, #tpu.memory_space<vmem>>) offsets(%arg6 : memref<8192xi32, #tpu.memory_space<vmem>>) semaphore(%arg13 : memref<!tpu.dma_semaphore, #tpu.memory_space<semaphore_mem>>)
        %dma_wait3A_110 = arith.constant 0 : i32
        %dma_wait3A_111 = tpu.memref_slice %arg9[%dma_wait3A_110] : memref<1000000xf32, #tpu.memory_space<vmem_shared>> -> memref<1000000xf32, #tpu.memory_space<vmem_shared>>
        tpu.wait_indirect_dma semaphore(%arg13 : memref<!tpu.dma_semaphore, #tpu.memory_space<semaphore_mem>>) src(%dma_wait3A_111 : memref<1000000xf32, #tpu.memory_space<vmem_shared>>) dst(%arg8 : memref<8192xf32, #tpu.memory_space<vmem>>)
        %add3A_112 = arith.constant 144 : i32
        %add3A_113 = arith.addi %arg1, %add3A_112 : i32
        %dma_wait3A_114 = tpu.memref_slice %arg4[%add3A_113, %add3A_12, %mul3A_0] : memref<200x32x16384xf32, #tpu.memory_space<hbm>> -> memref<1x1x8192xf32, #tpu.memory_space<hbm>>
        %dma_wait3A_115 = tpu.memref_squeeze %dma_wait3A_114 : memref<1x1x8192xf32, #tpu.memory_space<hbm>> -> memref<8192xf32, #tpu.memory_space<hbm>>
        %dma_wait3A_116 = tpu.memref_slice %arg4[%add3A_113, %add3A_12, %mul3A_0] : memref<200x32x16384xf32, #tpu.memory_space<hbm>> -> memref<1x1x8192xf32, #tpu.memory_space<hbm>>
        %dma_wait3A_117 = tpu.memref_squeeze %dma_wait3A_116 : memref<1x1x8192xf32, #tpu.memory_space<hbm>> -> memref<8192xf32, #tpu.memory_space<hbm>>
        tpu.wait_dma2 semaphore(%arg15 : memref<!tpu.dma_semaphore, #tpu.memory_space<semaphore_mem>>) src(%arg8 : memref<8192xf32, #tpu.memory_space<vmem>>) dst(%dma_wait3A_117 : memref<8192xf32, #tpu.memory_space<hbm>>)
        %add3A_118 = arith.constant 176 : i32
        %add3A_119 = arith.addi %arg1, %add3A_118 : i32
        %dma_start3A_120 = tpu.memref_slice %arg4[%add3A_119, %add3A_12, %mul3A_0] : memref<200x32x16384xf32, #tpu.memory_space<hbm>> -> memref<1x1x8192xf32, #tpu.memory_space<hbm>>
        %dma_start3A_121 = tpu.memref_squeeze %dma_start3A_120 : memref<1x1x8192xf32, #tpu.memory_space<hbm>> -> memref<8192xf32, #tpu.memory_space<hbm>>
        %dma_start3A_122 = tpu.memref_slice %arg4[%add3A_119, %add3A_12, %mul3A_0] : memref<200x32x16384xf32, #tpu.memory_space<hbm>> -> memref<1x1x8192xf32, #tpu.memory_space<hbm>>
        %dma_start3A_123 = tpu.memref_squeeze %dma_start3A_122 : memref<1x1x8192xf32, #tpu.memory_space<hbm>> -> memref<8192xf32, #tpu.memory_space<hbm>>
        tpu.enqueue_dma source(%arg8 : memref<8192xf32, #tpu.memory_space<vmem>>) target(%dma_start3A_123 : memref<8192xf32, #tpu.memory_space<hbm>>) target_semaphore(%arg15 : memref<!tpu.dma_semaphore, #tpu.memory_space<semaphore_mem>>)
      } else {
      }
      %gt3A_79 = arith.constant 12 : i32
      %gt3A_80 = arith.cmpi sgt, %add3A_3, %gt3A_79 : i32
      %convert_element_type3A_81 = arith.extui %gt3A_80 : i1 to i32
      %cond3A_82 = arith.constant 0 : i32
      %cond3A_83 = arith.cmpi ne, %convert_element_type3A_81, %cond3A_82 : i32
      scf.if %cond3A_83 {
        %add3A_98 = arith.constant 192 : i32
        %add3A_99 = arith.addi %arg1, %add3A_98 : i32
        %dma_wait3A = tpu.memref_slice %arg2[%add3A_99, %mul3A_0] : memref<200x16384xi32, #tpu.memory_space<hbm>> -> memref<1x8192xi32, #tpu.memory_space<hbm>>
        %dma_wait3A_100 = tpu.memref_squeeze %dma_wait3A : memref<1x8192xi32, #tpu.memory_space<hbm>> -> memref<8192xi32, #tpu.memory_space<hbm>>
        %dma_wait3A_101 = tpu.memref_slice %arg2[%add3A_99, %mul3A_0] : memref<200x16384xi32, #tpu.memory_space<hbm>> -> memref<1x8192xi32, #tpu.memory_space<hbm>>
        %dma_wait3A_102 = tpu.memref_squeeze %dma_wait3A_101 : memref<1x8192xi32, #tpu.memory_space<hbm>> -> memref<8192xi32, #tpu.memory_space<hbm>>
        tpu.wait_dma2 semaphore(%arg10 : memref<!tpu.dma_semaphore, #tpu.memory_space<semaphore_mem>>) src(%dma_wait3A_102 : memref<8192xi32, #tpu.memory_space<hbm>>) dst(%arg5 : memref<8192xi32, #tpu.memory_space<vmem>>)
        %gt3A_103 = arith.constant 13 : i32
        %gt3A_104 = arith.cmpi sgt, %add3A_3, %gt3A_103 : i32
        %convert_element_type3A_105 = arith.extui %gt3A_104 : i1 to i32
        %cond3A_106 = arith.constant 0 : i32
        %cond3A_107 = arith.cmpi ne, %convert_element_type3A_105, %cond3A_106 : i32
        scf.if %cond3A_107 {
          %add3A_124 = arith.constant 208 : i32
          %add3A_125 = arith.addi %arg1, %add3A_124 : i32
          %dma_start3A_126 = tpu.memref_slice %arg2[%add3A_125, %mul3A_0] : memref<200x16384xi32, #tpu.memory_space<hbm>> -> memref<1x8192xi32, #tpu.memory_space<hbm>>
          %dma_start3A_127 = tpu.memref_squeeze %dma_start3A_126 : memref<1x8192xi32, #tpu.memory_space<hbm>> -> memref<8192xi32, #tpu.memory_space<hbm>>
          %dma_start3A_128 = tpu.memref_slice %arg2[%add3A_125, %mul3A_0] : memref<200x16384xi32, #tpu.memory_space<hbm>> -> memref<1x8192xi32, #tpu.memory_space<hbm>>
          %dma_start3A_129 = tpu.memref_squeeze %dma_start3A_128 : memref<1x8192xi32, #tpu.memory_space<hbm>> -> memref<8192xi32, #tpu.memory_space<hbm>>
          tpu.enqueue_dma source(%dma_start3A_129 : memref<8192xi32, #tpu.memory_space<hbm>>) target(%arg6 : memref<8192xi32, #tpu.memory_space<vmem>>) target_semaphore(%arg11 : memref<!tpu.dma_semaphore, #tpu.memory_space<semaphore_mem>>)
        } else {
        }
        %dma_start3A_108 = arith.constant 0 : i32
        %dma_start3A_109 = tpu.memref_slice %arg9[%dma_start3A_108] : memref<1000000xf32, #tpu.memory_space<vmem_shared>> -> memref<1000000xf32, #tpu.memory_space<vmem_shared>>
        tpu.enqueue_indirect_dma source(%dma_start3A_109 : memref<1000000xf32, #tpu.memory_space<vmem_shared>>) target(%arg7 : memref<8192xf32, #tpu.memory_space<vmem>>) offsets(%arg5 : memref<8192xi32, #tpu.memory_space<vmem>>) semaphore(%arg12 : memref<!tpu.dma_semaphore, #tpu.memory_space<semaphore_mem>>)
        %dma_wait3A_110 = arith.constant 0 : i32
        %dma_wait3A_111 = tpu.memref_slice %arg9[%dma_wait3A_110] : memref<1000000xf32, #tpu.memory_space<vmem_shared>> -> memref<1000000xf32, #tpu.memory_space<vmem_shared>>
        tpu.wait_indirect_dma semaphore(%arg12 : memref<!tpu.dma_semaphore, #tpu.memory_space<semaphore_mem>>) src(%dma_wait3A_111 : memref<1000000xf32, #tpu.memory_space<vmem_shared>>) dst(%arg7 : memref<8192xf32, #tpu.memory_space<vmem>>)
        %add3A_112 = arith.constant 160 : i32
        %add3A_113 = arith.addi %arg1, %add3A_112 : i32
        %dma_wait3A_114 = tpu.memref_slice %arg4[%add3A_113, %add3A_12, %mul3A_0] : memref<200x32x16384xf32, #tpu.memory_space<hbm>> -> memref<1x1x8192xf32, #tpu.memory_space<hbm>>
        %dma_wait3A_115 = tpu.memref_squeeze %dma_wait3A_114 : memref<1x1x8192xf32, #tpu.memory_space<hbm>> -> memref<8192xf32, #tpu.memory_space<hbm>>
        %dma_wait3A_116 = tpu.memref_slice %arg4[%add3A_113, %add3A_12, %mul3A_0] : memref<200x32x16384xf32, #tpu.memory_space<hbm>> -> memref<1x1x8192xf32, #tpu.memory_space<hbm>>
        %dma_wait3A_117 = tpu.memref_squeeze %dma_wait3A_116 : memref<1x1x8192xf32, #tpu.memory_space<hbm>> -> memref<8192xf32, #tpu.memory_space<hbm>>
        tpu.wait_dma2 semaphore(%arg14 : memref<!tpu.dma_semaphore, #tpu.memory_space<semaphore_mem>>) src(%arg7 : memref<8192xf32, #tpu.memory_space<vmem>>) dst(%dma_wait3A_117 : memref<8192xf32, #tpu.memory_space<hbm>>)
        %add3A_118 = arith.constant 192 : i32
        %add3A_119 = arith.addi %arg1, %add3A_118 : i32
        %dma_start3A_120 = tpu.memref_slice %arg4[%add3A_119, %add3A_12, %mul3A_0] : memref<200x32x16384xf32, #tpu.memory_space<hbm>> -> memref<1x1x8192xf32, #tpu.memory_space<hbm>>
        %dma_start3A_121 = tpu.memref_squeeze %dma_start3A_120 : memref<1x1x8192xf32, #tpu.memory_space<hbm>> -> memref<8192xf32, #tpu.memory_space<hbm>>
        %dma_start3A_122 = tpu.memref_slice %arg4[%add3A_119, %add3A_12, %mul3A_0] : memref<200x32x16384xf32, #tpu.memory_space<hbm>> -> memref<1x1x8192xf32, #tpu.memory_space<hbm>>
        %dma_start3A_123 = tpu.memref_squeeze %dma_start3A_122 : memref<1x1x8192xf32, #tpu.memory_space<hbm>> -> memref<8192xf32, #tpu.memory_space<hbm>>
        tpu.enqueue_dma source(%arg7 : memref<8192xf32, #tpu.memory_space<vmem>>) target(%dma_start3A_123 : memref<8192xf32, #tpu.memory_space<hbm>>) target_semaphore(%arg14 : memref<!tpu.dma_semaphore, #tpu.memory_space<semaphore_mem>>)
      } else {
      }
      %sub3A = arith.constant 1 : i32
      %sub3A_84 = arith.subi %add3A_3, %sub3A : i32
      %eq3A_85 = arith.constant 11 : i32
      %eq3A_86 = arith.cmpi eq, %sub3A_84, %eq3A_85 : i32
      %convert_element_type3A_87 = arith.extui %eq3A_86 : i1 to i32
      %cond3A_88 = arith.constant 0 : i32
      %cond3A_89 = arith.cmpi ne, %convert_element_type3A_87, %cond3A_88 : i32
      scf.if %cond3A_89 {
        %add3A_98 = arith.constant 160 : i32
        %add3A_99 = arith.addi %arg1, %add3A_98 : i32
        %dma_wait3A = tpu.memref_slice %arg4[%add3A_99, %add3A_12, %mul3A_0] : memref<200x32x16384xf32, #tpu.memory_space<hbm>> -> memref<1x1x8192xf32, #tpu.memory_space<hbm>>
        %dma_wait3A_100 = tpu.memref_squeeze %dma_wait3A : memref<1x1x8192xf32, #tpu.memory_space<hbm>> -> memref<8192xf32, #tpu.memory_space<hbm>>
        %dma_wait3A_101 = tpu.memref_slice %arg4[%add3A_99, %add3A_12, %mul3A_0] : memref<200x32x16384xf32, #tpu.memory_space<hbm>> -> memref<1x1x8192xf32, #tpu.memory_space<hbm>>
        %dma_wait3A_102 = tpu.memref_squeeze %dma_wait3A_101 : memref<1x1x8192xf32, #tpu.memory_space<hbm>> -> memref<8192xf32, #tpu.memory_space<hbm>>
        tpu.wait_dma2 semaphore(%arg14 : memref<!tpu.dma_semaphore, #tpu.memory_space<semaphore_mem>>) src(%arg7 : memref<8192xf32, #tpu.memory_space<vmem>>) dst(%dma_wait3A_102 : memref<8192xf32, #tpu.memory_space<hbm>>)
        %add3A_103 = arith.constant 176 : i32
        %add3A_104 = arith.addi %arg1, %add3A_103 : i32
        %dma_wait3A_105 = tpu.memref_slice %arg4[%add3A_104, %add3A_12, %mul3A_0] : memref<200x32x16384xf32, #tpu.memory_space<hbm>> -> memref<1x1x8192xf32, #tpu.memory_space<hbm>>
        %dma_wait3A_106 = tpu.memref_squeeze %dma_wait3A_105 : memref<1x1x8192xf32, #tpu.memory_space<hbm>> -> memref<8192xf32, #tpu.memory_space<hbm>>
        %dma_wait3A_107 = tpu.memref_slice %arg4[%add3A_104, %add3A_12, %mul3A_0] : memref<200x32x16384xf32, #tpu.memory_space<hbm>> -> memref<1x1x8192xf32, #tpu.memory_space<hbm>>
        %dma_wait3A_108 = tpu.memref_squeeze %dma_wait3A_107 : memref<1x1x8192xf32, #tpu.memory_space<hbm>> -> memref<8192xf32, #tpu.memory_space<hbm>>
        tpu.wait_dma2 semaphore(%arg15 : memref<!tpu.dma_semaphore, #tpu.memory_space<semaphore_mem>>) src(%arg8 : memref<8192xf32, #tpu.memory_space<vmem>>) dst(%dma_wait3A_108 : memref<8192xf32, #tpu.memory_space<hbm>>)
      } else {
      }
      %sub3A_90 = arith.constant 1 : i32
      %sub3A_91 = arith.subi %add3A_3, %sub3A_90 : i32
      %eq3A_92 = arith.constant 12 : i32
      %eq3A_93 = arith.cmpi eq, %sub3A_91, %eq3A_92 : i32
      %convert_element_type3A_94 = arith.extui %eq3A_93 : i1 to i32
      %cond3A_95 = arith.constant 0 : i32
      %cond3A_96 = arith.cmpi ne, %convert_element_type3A_94, %cond3A_95 : i32
      scf.if %cond3A_96 {
        %add3A_98 = arith.constant 176 : i32
        %add3A_99 = arith.addi %arg1, %add3A_98 : i32
        %dma_wait3A = tpu.memref_slice %arg4[%add3A_99, %add3A_12, %mul3A_0] : memref<200x32x16384xf32, #tpu.memory_space<hbm>> -> memref<1x1x8192xf32, #tpu.memory_space<hbm>>
        %dma_wait3A_100 = tpu.memref_squeeze %dma_wait3A : memref<1x1x8192xf32, #tpu.memory_space<hbm>> -> memref<8192xf32, #tpu.memory_space<hbm>>
        %dma_wait3A_101 = tpu.memref_slice %arg4[%add3A_99, %add3A_12, %mul3A_0] : memref<200x32x16384xf32, #tpu.memory_space<hbm>> -> memref<1x1x8192xf32, #tpu.memory_space<hbm>>
        %dma_wait3A_102 = tpu.memref_squeeze %dma_wait3A_101 : memref<1x1x8192xf32, #tpu.memory_space<hbm>> -> memref<8192xf32, #tpu.memory_space<hbm>>
        tpu.wait_dma2 semaphore(%arg15 : memref<!tpu.dma_semaphore, #tpu.memory_space<semaphore_mem>>) src(%arg8 : memref<8192xf32, #tpu.memory_space<vmem>>) dst(%dma_wait3A_102 : memref<8192xf32, #tpu.memory_space<hbm>>)
        %add3A_103 = arith.constant 192 : i32
        %add3A_104 = arith.addi %arg1, %add3A_103 : i32
        %dma_wait3A_105 = tpu.memref_slice %arg4[%add3A_104, %add3A_12, %mul3A_0] : memref<200x32x16384xf32, #tpu.memory_space<hbm>> -> memref<1x1x8192xf32, #tpu.memory_space<hbm>>
        %dma_wait3A_106 = tpu.memref_squeeze %dma_wait3A_105 : memref<1x1x8192xf32, #tpu.memory_space<hbm>> -> memref<8192xf32, #tpu.memory_space<hbm>>
        %dma_wait3A_107 = tpu.memref_slice %arg4[%add3A_104, %add3A_12, %mul3A_0] : memref<200x32x16384xf32, #tpu.memory_space<hbm>> -> memref<1x1x8192xf32, #tpu.memory_space<hbm>>
        %dma_wait3A_108 = tpu.memref_squeeze %dma_wait3A_107 : memref<1x1x8192xf32, #tpu.memory_space<hbm>> -> memref<8192xf32, #tpu.memory_space<hbm>>
        tpu.wait_dma2 semaphore(%arg14 : memref<!tpu.dma_semaphore, #tpu.memory_space<semaphore_mem>>) src(%arg7 : memref<8192xf32, #tpu.memory_space<vmem>>) dst(%dma_wait3A_108 : memref<8192xf32, #tpu.memory_space<hbm>>)
      } else {
      }
      %barrier3A_97 = arith.constant 0 : index
      tpu.barrier barrier_id(%barrier3A_97)
    }
    %scan3A_7 = arith.constant 32 : i32
    return
  }
}

</mosaic_0001>

<sc_bundles>
// kernel: kernel.3.cloned.1.call-start
scs
__scs_entry_jumppad:
0x0: {  	(pc) =	sbr.rel $0x88, $3  }
0x1: {  	(tag) =	ssettag $0x0;
	lr =	simm.s32 $0x1  }
0x2: {  	[smem:$0x3F9F] =	sst lr;
	_ =	strace $0xD0000000  }
0x3: {  	_ = 	snop  }
0x4: {  	_ = 	snop  }
0x5: {  	_ = 	snop  }
0x6: {  	_ = 	snop  }
0x7: {  	_ = 	snop  }
__scs_overlays_trampoline_lowered:
0x8: {  	[smem:$0x3FAE] =	sst s0  }
0x9: {  	[smem:$0x3FAF] =	sst s1  }
0xa: {  	[smem:$0x3FB0] =	sst s2  }
0xb: {  	[smem:$0x3FB1] =	sst s3  }
0xc: {  	[smem:$0x3FB2] =	sst s4  }
0xd: {  	[smem:$0x3FB3] =	sst s5  }
0xe: {  	[smem:$0x3FB4] =	sst s6  }
0xf: {  	[smem:$0x3FB5] =	sst s7  }
0x10: {  	[smem:$0x3FB6] =	sst s8  }
0x11: {  	[smem:$0x3FB7] =	sst s9;
	s0 =	simm.s32 @!p0 $0x0  }
0x12: {  	s1 =	sld [smem:$0x3F9D];
	s0 =	simm.s32 @p0 $0x1  }
0x13: {  	[smem:$0x3FB8] =	sst s0;
	s0 =	simm.s32 @!p1 $0x0  }
0x14: {  	s2 =	sld [smem:$0x3F9C];
	s0 =	simm.s32 @p1 $0x1  }
0x15: {  	[smem:$0x3FB9] =	sst s0;
	s0 =	simm.s32 @!p2 $0x0  }
0x16: {  	s3 =	sld [smem:$0x3FDB];
	s0 =	simm.s32 @p2 $0x1  }
0x17: {  	s4 =	simm.s32 $0x1BF5;
	[smem:$0x3FBB] =	sst s0  }
0x18: {  	s0 =	sld [smem:$0x3F9E];
	_ =	swait.ge [sflag:s4], $0x0  }
0x19: {  	s7 =	sld [smem:$0x3F9F]  }
0x1a: {  	s8 =	sadd.s32 $0xFFFFE003, lr  }
0x1b: {  	s9 =	sadd.s32 $0xFFFFFEF7, lr;
	s5 =	simm.s32 $0xFFFFFFFF;
	p2 =	slt.u32 s8, $0xFFFFF086  }
0x1c: {  	p1 =	slt.u32 s9, $0xF7A;
	s5 =	simm.s32 @!p2 $0x0  }
0x1d: {  	s5 =	simm.s32 @p1 $0x1;
	p0 =	seq.s32 s7, s2  }
0x1e: {  	s7 =	smul.u32 @!p0 $0xF7A, s2;
	p2 =	seq.s32 @!p0 s5, $0x0  }
0x1f: {  	s9 =	smul.u32 $0xF7A, s1;
	s8 =	simm.s32 @!p0 $0x1BF5;
	p2 =	por !p2, p0  }
0x20: {  	[sflag:s8] =	ssyncset.s32 @!p0 $0xFFFFF086;
	s6 =	sadd.s32 @!p0 s3, s7;
	s7 =	simm.s32 @!p0 $0x108  }
0x21: {  	s3 =	sadd.s32 s3, s9;
	s6 =	sadd.s32 @!p0 $0x88, s6;
	s7 =	simm.s32 @p2 $0x1082  }
0x22: {  	[simem:s7], [sflag:s8] =	dma.local @!p0 [hbm:s6], $0xF7A  }
0x23: {  	s9 =	sor.u32 $0xD0000000, s2;
	s6 =	simm.s32 $0x108;
	_ =	swait.ge @!p0 [sflag:s8], $0x0  }
0x24: {  	s3 =	sadd.s32 $0x88, s3;
	s6 =	simm.s32 @!p1 $0x1082;
	[sflag:s4] =	ssyncset.s32 $0xFFFFF086  }
0x25: {  	[simem:s6], [sflag:s4] =	dma.local [hbm:s3], $0xF7A  }
0x26: {  	[smem:$0x3F9F] =	sst s1;
	(tag) =	ssettag s2;
	_ =	strace s9  }
0x27: {  	s1 =	sld [smem:$0x3FAF]  }
0x28: {  	s2 =	sld [smem:$0x3FB0]  }
0x29: {  	s4 =	sld [smem:$0x3FB2]  }
0x2a: {  	p0 =	seq.s32 s5, $0x0;
	s5 =	sld [smem:$0x3FB3]  }
0x2b: {  	s6 =	sld [smem:$0x3FB4]  }
0x2c: {  	s7 =	sld [smem:$0x3FB5]  }
0x2d: {  	s3 =	simm.s32 $0x108;
	s8 =	sld [smem:$0x3FB6]  }
0x2e: {  	s3 =	simm.s32 @!p0 $0x1082;
	s9 =	sld [smem:$0x3FB7]  }
0x2f: {  	lr =	sadd.s32 s0, s3;
	s0 =	sld [smem:$0x3FAE]  }
0x30: {  	s3 =	sld [smem:$0x3FB1]  }
0x31: {  	[smem:$0x3FBA] =	sst s10  }
0x32: {  	s10 =	sld [smem:$0x3FB8];
	_ =	sdelay $0x3  }
0x33: {  	p0 =	seq.s32 s10, $0x1;
	s10 =	sld [smem:$0x3FBA];
	_ =	sdelay $0x3  }
0x34: {  	[smem:$0x3FBA] =	sst s10  }
0x35: {  	s10 =	sld [smem:$0x3FB9];
	_ =	sdelay $0x3  }
0x36: {  	p1 =	seq.s32 s10, $0x1;
	s10 =	sld [smem:$0x3FBA];
	_ =	sdelay $0x3  }
0x37: {  	[smem:$0x3FBA] =	sst s10  }
0x38: {  	s10 =	sld [smem:$0x3FBB]  }
0x39: {  	_ = 	snop;
	(pc) =	sbr.ind lr, $3  }
0x3a: {  	_ = 	snop  }
0x3b: {  	_ = 	snop  }
0x3c: {  	p2 =	seq.s32 s10, $0x1;
	s10 =	sld [smem:$0x3FBA]  }
0x3d: {  	_ =	shalt  }
0x3e: {  	_ =	shalt  }
0x3f: {  	_ =	shalt  }
0x40: {  	_ =	shalt  }
0x41: {  	_ =	shalt  }
0x42: {  	_ =	shalt  }
0x43: {  	_ =	shalt  }
0x44: {  	_ =	shalt  }
0x45: {  	_ =	shalt  }
0x46: {  	_ =	shalt  }
0x47: {  	_ =	shalt  }
0x48: {  	_ =	shalt  }
0x49: {  	_ =	shalt  }
0x4a: {  	_ =	shalt  }
0x4b: {  	_ =	shalt  }
0x4c: {  	_ =	shalt  }
0x4d: {  	_ =	shalt  }
0x4e: {  	_ =	shalt  }
0x4f: {  	_ =	shalt  }
0x50: {  	_ =	shalt  }
0x51: {  	_ =	shalt  }
0x52: {  	_ =	shalt  }
0x53: {  	_ =	shalt  }
0x54: {  	_ =	shalt  }
0x55: {  	_ =	shalt  }
0x56: {  	_ =	shalt  }
0x57: {  	_ =	shalt  }
0x58: {  	_ =	shalt  }
0x59: {  	_ =	shalt  }
0x5a: {  	_ =	shalt  }
0x5b: {  	_ =	shalt  }
0x5c: {  	_ =	shalt  }
0x5d: {  	_ =	shalt  }
0x5e: {  	_ =	shalt  }
0x5f: {  	_ =	shalt  }
0x60: {  	_ =	shalt  }
0x61: {  	_ =	shalt  }
0x62: {  	_ =	shalt  }
0x63: {  	_ =	shalt  }
0x64: {  	_ =	shalt  }
0x65: {  	_ =	shalt  }
0x66: {  	_ =	shalt  }
0x67: {  	_ =	shalt  }
0x68: {  	_ =	shalt  }
0x69: {  	_ =	shalt  }
0x6a: {  	_ =	shalt  }
0x6b: {  	_ =	shalt  }
0x6c: {  	_ =	shalt  }
0x6d: {  	_ =	shalt  }
0x6e: {  	_ =	shalt  }
0x6f: {  	_ =	shalt  }
0x70: {  	_ =	shalt  }
0x71: {  	_ =	shalt  }
0x72: {  	_ =	shalt  }
0x73: {  	_ =	shalt  }
0x74: {  	_ =	shalt  }
0x75: {  	_ =	shalt  }
0x76: {  	_ =	shalt  }
0x77: {  	_ =	shalt  }
0x78: {  	_ =	shalt  }
0x79: {  	_ =	shalt  }
0x7a: {  	_ =	shalt  }
0x7b: {  	_ =	shalt  }
0x7c: {  	_ =	shalt  }
0x7d: {  	_ =	shalt  }
0x7e: {  	_ =	shalt  }
0x7f: {  	_ =	shalt  }
0x80: {  	_ =	shalt  }
0x81: {  	_ =	shalt  }
0x82: {  	_ =	shalt  }
0x83: {  	_ =	shalt  }
0x84: {  	_ =	shalt  }
0x85: {  	_ =	shalt  }
0x86: {  	_ =	shalt  }
0x87: {  	_ =	shalt  }
.Lfunc_end0:
.L_simem_size_0:
called_computation_lowered:
.L_overlay_start_0:
0x88: {  	s2 =	sld [smem:$0x3FD9]  }
0x89: {  	s3 =	sld [smem:$0x3FFE];
	_ =	sdelay $0x1  }
0x8a: {  	s1 =	srdreg.scid  }
0x8b: {  	s0 =	sand.u32 $0x1, s1  }
0x8c: {  	s15 =	sshll.u32 s0, $0xA;
	s2 =	sadd.s32 s3, s2  }
0x8d: {  	s2 =	sadd.s32 s2, s15  }
0x8e: {  	[smem:$0x3FC6] =	sst s2  }
0x8f: {  	_ = 	snop  }
0x90: {  	s2 =	sld [smem:$0x3FD0];
	_ =	sdelay $0x1  }
0x91: {  	s16 =	sld [smem:$0x3FC9]  }
0x92: {  	s5 =	simm.s32 $0xA;
	s6 =	simm.s32 $0x10;
	s4 =	sld [smem:$0x3FC8]  }
0x93: {  	[smem:s6], [sflag:s5] =	dma.local [hbm:s2], $0x1  }
0x94: {  	_ =	swait.eq [sflag:s5], $0x1  }
0x95: {  	[sflag:s5] =	ssyncset.done $0x0  }
0x96: {  	[sflag:s5] =	ssyncadd.s32 $0xFFFFFFFF  }
0x97: {  	s17 =	sld [smem:$0x10];
	(tm) =	ssettm $0x1  }
0x98: {  	s18 =	sld [smem:$0x3FFB];
	_ =	sdelay $0x3  }
0x99: {  	_ =	strace s18  }
0x9a: {  	s5 =	sld [smem:$0x3FFC];
	_ =	sdelay $0x3  }
0x9b: {  	_ =	strace s5  }
0x9c: {  	s5 =	sld [smem:$0x3FFD];
	_ =	sdelay $0x3  }
0x9d: {  	_ =	strace s5  }
0x9e: {  	_ =	strace $0x8FFFFFFF  }
0x9f: {  	s19 =	sld [smem:$0x3FDB];
	_ =	sdelay $0x1  }
0xa0: {  	s20 =	simm.s32 $_scs_section_size  }
0xa1: {  	s7 =	simm.s32 $_size__tile_overlayer_lowered;
	s8 =	simm.s32 $_tile_overlayer_lowered  }
0xa2: {  	s23 =	simm.s32 $0x1BFF;
	s22 =	sshll.u32 s8, $0x1;
	s5 =	sadd.s32 s20, s19  }
0xa3: {  	s9 =	simm.s32 $0x0;
	s21 =	sshll.u32 s7, $0x1;
	s7 =	sadd.s32 s22, s5  }
0xa4: {  	[timem:s9], [sflag:s23] =	dma.local [hbm:s7], s21  }
0xa5: {  	_ =	swait.ge [sflag:s23], s21  }
0xa6: {  	s6 =	ssub.s32 $0x0, s21;
	[sflag:s23] =	ssyncset.done $0x0  }
0xa7: {  	[sflag:s23] =	ssyncadd.s32 s6;
	_ =	sdelay $0x1  }
0xa8: {  	s24 =	simm.s32 $0x1B8B  }
0xa9: {  	_ =	swait.ge [sflag:s24], $0x1  }
0xaa: {  	[sflag:s24] =	ssyncset.done $0x0  }
0xab: {  	s25 =	simm.s32 $0x1B8E;
	[sflag:s24] =	ssyncadd.s32 $0xFFFFFFFF  }
0xac: {  	s26 =	simm.s32 $execute0_lowered;
	[smem:$0x3FD2] =	sst s25  }
0xad: {  	s6 =	sshll.u32 s26, $0x1;
	_ =	strace $0x80000046;
	[dreg:$0x1] =	wrdreg $0xFFFFFFFF  }
0xae: {  	s28 =	simm.s32 $_size_execute0_lowered;
	s5 =	sadd.s32 s5, s6;
	[dreg:$0x0] =	wrdreg $0x0  }
0xaf: {  	s6 =	sshll.u32 s28, $0x1;
	[dreg:$0x2] =	wrdreg s5  }
0xb0: {  	[dreg:$0x3] =	wrdreg s6  }
0xb1: {  	[dreg:$0x4] =	wrdreg $0xC0  }
0xb2: {  	_ =	task [dreg:s9], $0x5FFFF  }
0xb3: {  	[dreg:$0x1] =	wrdreg $0xFFFFFFFF  }
0xb4: {  	[dreg:$0x0] =	wrdreg $0x60  }
0xb5: {  	[dreg:$0x2] =	wrdreg s16  }
0xb6: {  	[dreg:$0x3] =	wrdreg s4  }
0xb7: {  	[dreg:$0x4] =	wrdreg s17  }
0xb8: {  	[dreg:$0x5] =	wrdreg $0x80000  }
0xb9: {  	[dreg:$0x6] =	wrdreg $0x9  }
0xba: {  	_ =	task.clear_ibuf [dreg:s9], $0x7FFFF;
	_ =	strace $0x90000046  }
0xbb: {  	s29 =	simm.s32 $0x9;
	_ =	strace $0x80000048  }
0xbc: {  	_ =	swait.ge [sflag:s29], $0x1  }
0xbd: {  	[sflag:s29] =	ssyncadd.s32 $0xFFFFFFFF  }
0xbe: {  	_ =	strace $0x90000048  }
0xbf: {  	_ =	sfence  }
0xc0: {  	s30 =	sld [smem:$0x0];
	_ =	sdelay $0x2  }
0xc1: {  	s31 =	sshll.u32 s1, $0xD;
	s1 =	sshrl.u32 s1, $0x2  }
0xc2: {  	s3 =	sand.u32 $0x4000, s31;
	s1 =	sadd.s32 s1, s30  }
0xc3: {  	s0 =	sor.u32 s3, s0;
	s1 =	sshll.u32 s1, $0x11  }
0xc4: {  	s0 =	sor.u32 s1, s0  }
0xc5: {  	s0 =	sadd.s32 $0x8F2B, s0  }
0xc6: {  	[sflag:s0] =	ssyncadd.remote.s32 $0x1  }
0xc7: {  	_ =	sfence.sel $0xFFFF  }
0xc8: {  	[dreg:$0x0] =	wrdreg $0xFFFFFFFF;
	(pc) =	sbr.abs _section_cstart, $3  }
0xc9: {  	[dreg:$0x1] =	wrdreg $0xFFFFFFFF  }
0xca: {  	_ =	task.clear_ibuf [dreg:s9], $0x2FFFF;
	_ =	strace $0x9FFFFFFF  }
0xcb: {  	(tm) =	ssettm $0x7FFFFFFF  }
tec
execute0_lowered:
.L_overlay_start_1:
0x0: {  	(tag) =	ssettag $0x1  }
0x1: {  	s0 =	rddreg [dreg:$0x0]  }
0x2: {  	s1 =	rddreg [dreg:$0x1]  }
0x3: {  	s7 =	rddreg [dreg:$0x2]  }
0x4: {  	s6 =	stileid.u32;
	s5 =	simm.s32 $0x0;
	[dreg:$0x5] =	wrdreg s1  }
0x5: {  	s3 =	sshll.u32 s6, $0x7;
	s4 =	sshll.u32 s6, $0xE;
	[smem:$0x7FF] =	sst s5  }
0x6: {  	s28 =	sshll.u32 s6, $0x13;
	s26 =	sor.u32 s4, s3;
	s4 =	rddreg [dreg:$0x3]  }
0x7: {  	s30 =	sadd.s32 $0x100000, s7;
	_ =	strace $0x80000047;
	[dreg:$0x7] =	wrdreg s28  }
0x8: {  	s10 =	sadd.s32 $0x200000, s7;
	[dreg:$0x9] =	wrdreg s30  }
0x9: {  	s12 =	sadd.s32 $0x300000, s7;
	[dreg:$0xb] =	wrdreg s10  }
0xa: {  	s14 =	sadd.s32 $0x400000, s7;
	[dreg:$0xd] =	wrdreg s12  }
0xb: {  	s16 =	sadd.s32 $0x500000, s7;
	[dreg:$0xf] =	wrdreg s14  }
0xc: {  	s18 =	sadd.s32 $0x600000, s7;
	[dreg:$0x11] =	wrdreg s16  }
0xd: {  	s20 =	sadd.s32 $0x700000, s7;
	[dreg:$0x13] =	wrdreg s18  }
0xe: {  	s2 =	srdreg.scid;
	s22 =	sadd.s32 $0x800000, s7;
	[dreg:$0x15] =	wrdreg s20  }
0xf: {  	s1 =	sand.u32 $0x1, s2;
	s24 =	sadd.s32 $0x900000, s7;
	[dreg:$0x17] =	wrdreg s22  }
0x10: {  	p0 =	seq.s32 s6, $0x0;
	s8 =	sshll.u32 s1, $0x10;
	[dreg:$0x19] =	wrdreg s24  }
0x11: {  	s28 =	sadd.s32 $0xB00000, s7;
	s2 =	sand.u32 $0x20380, s26;
	[dreg:$0x1f] =	wrdreg s8  }
0x12: {  	s30 =	sadd.s32 $0xC00000, s7;
	[dreg:$0x1d] =	wrdreg s28;
	s2 =	sor.u32 s8, s2  }
0x13: {  	s26 =	sadd.s32 $0xA00000, s7;
	[dreg:$0x1e] =	wrdreg s30;
	s2 =	sshrl.u32 s2, $0x3  }
0x14: {  	p1 =	sgt.u32 s6, $0x7;
	[dreg:$0x1b] =	wrdreg s26;
	s9 =	sadd.s32 s0, s2  }
0x15: {  	s1 =	ssub.s32 $0x2, s1;
	s2 =	sadd.s32 $0x8000, s9;
	[smem:$0x7FC] =	sst s9  }
0x16: {  	s10 =	simm.s32 $0x1;
	s29 =	sadd.s32 $0x10000, s9;
	[dreg:$0x6] =	wrdreg s2  }
0x17: {  	s12 =	simm.s32 $0x4000;
	s31 =	sadd.s32 $0x18000, s9;
	[dreg:$0x8] =	wrdreg s29  }
0x18: {  	s14 =	simm.s32 $0x2;
	s11 =	sadd.s32 $0x20000, s9;
	[dreg:$0xa] =	wrdreg s31  }
0x19: {  	s16 =	simm.s32 $0x4;
	s13 =	sadd.s32 $0x28000, s9;
	[dreg:$0xc] =	wrdreg s11  }
0x1a: {  	s18 =	simm.s32 $0x6;
	s15 =	sadd.s32 $0x30000, s9;
	[dreg:$0xe] =	wrdreg s13  }
0x1b: {  	s3 =	sor.u32 s3, s8;
	s17 =	sadd.s32 $0x38000, s9;
	[dreg:$0x10] =	wrdreg s15  }
0x1c: {  	s3 =	sshrl.u32 s3, $0x3;
	s19 =	sadd.s32 $0x40000, s9;
	[dreg:$0x12] =	wrdreg s17  }
0x1d: {  	s8 =	simm.s32 $0x80;
	s21 =	sadd.s32 $0x48000, s9;
	[dreg:$0x14] =	wrdreg s19  }
0x1e: {  	s0 =	sadd.s32 s3, s0;
	s23 =	sadd.s32 $0x50000, s9;
	[dreg:$0x16] =	wrdreg s21  }
0x1f: {  	s25 =	sadd.s32 $0x58000, s9;
	s0 =	sadd.s32 $0x60000, s0;
	[dreg:$0x18] =	wrdreg s23  }
0x20: {  	s9 =	simm.s32 $0x400;
	[dreg:$0x1a] =	wrdreg s25;
	s29 =	sshrl.u32 s1, $0x1  }
0x21: {  	[dreg:$0x1c] =	wrdreg s0;
	s11 =	simm.s32 $0x2000;
	s1 =	ssub.s32 s1, s29  }
0x22: {  	s13 =	simm.s32 $0x3;
	s15 =	simm.s32 $0x6000;
	s31 =	smax.u32 s1, $0x1  }
0x23: {  	s17 =	simm.s32 $0x5;
	s1 =	simm.s32 $0x0;
	[smem:$0x7FD] =	sst s31  }
.LBB2_1:
0x24: {  	s0 =	simm.s32 @p0 $0x0  }
0x25: {  	[smem:$0x7FA] =	sst s1;
	s0 =	smul.u32 @p0 $0x7A1400, s0  }
0x26: {  	s1 =	sand.u32 @p0 $0x380, s5;
	s2 =	rddreg [dreg:$0x5];
	s6 =	simm.s32 @p0 $0x1C07  }
0x27: {  	s7 =	simm.s32 @p0 $0x10;
	s19 =	simm.s32 @p0 $0x80;
	s0 =	sor.u32 @p0 s1, s0  }
0x28: {  	s3 =	sshrl.u32 @p0 s4, $0x3;
	s20 =	simm.s32 @p0 $0x1;
	s0 =	sshrl.u32 @p0 s0, $0x3  }
0x29: {  	s25 =	simm.s32 @p0 $0x7;
	[smem:$0x7FB] =	sst s3;
	s0 =	sadd.s32 @p0 s2, s0  }
0x2a: {  	[spmem:s3@s7], [sflag:s6] =	dma.strided @p0 [hbm:s0@s19], $0x1E850, s20, $0x10   }
0x2b: {  	_ =	swait.ge @p0 [sflag:s25], $0x1E850  }
0x2c: {  	[sflag:s25] =	ssyncset.done @p0 $0x0  }
0x2d: {  	[sflag:s25] =	ssyncadd.s32 @p0 $0xFFFE17B0  }
0x2e: {  	[bflag:$0x0] =	sbarrier.arrive $0xFFFF  }
0x2f: {  	s29 =	sld [smem:$0x7FC];
	_ =	sdelay $0x2  }
0x30: {  	[tilespmem:s5], [sflag:$0x1] =	stream.strided.gather [hbm4b:s29+s8], $0x2000, s9, s8, $0x38;
	[tilespmem:$0x17428] =	vst v63  }
0x31: {  	_ =	swait.ge [sflag:s10], $0x2000  }
0x32: {  	[sflag:s10] =	ssyncset.done $0x0  }
0x33: {  	s2 =	rddreg [dreg:$0x6];
	[sflag:s10] =	ssyncadd.s32 $0xFFFFE000  }
0x34: {  	[tilespmem:s11], [sflag:$0x2] =	stream.strided.gather [hbm4b:s2+s8], $0x2000, s9, s8, $0x38;
	[tilespmem:$0x17428] =	vst v63  }
0x35: {  	_ = 	snop  }
0x36: {  	[tilespmem:s12], [sflag:$0x3] =	stream.indirect.gather [spmem:s4], $0x1, s5, s11, $0xb8;
	[tilespmem:$0x17428] =	vst v63  }
0x37: {  	_ =	swait.ge [sflag:s13], $0x2000  }
0x38: {  	s6 =	sand.u32 $0x60000, s5;
	s2 =	sand.u32 @!p0 $0x380, s5;
	s3 =	rddreg [dreg:$0x7]  }
0x39: {  	s2 =	smov.u32 @p0 s1;
	s0 =	sor.u32 s3, s6  }
0x3a: {  	s7 =	rddreg [dreg:$0x1f];
	[sflag:s13] =	ssyncset.done $0x0;
	s0 =	sor.u32 s2, s0  }
0x3b: {  	[sflag:s13] =	ssyncadd.s32 $0xFFFFE000;
	s0 =	sor.u32 s7, s0  }
0x3c: {  	s19 =	rddreg [dreg:$0x2];
	s1 =	sshrl.u32 s0, $0x3  }
0x3d: {  	s0 =	sadd.s32 s19, s1  }
0x3e: {  	[hbm4b:s0+s8] =	stream.strided.scatter [tilespmem:s12], [sflag:$0x5], $0x2000, s9, s8, $0x38;
	[tilespmem:$0x17428] =	vst v63  }
0x3f: {  	_ =	swait.ge [sflag:s14], $0x2000  }
0x40: {  	[sflag:s14] =	ssyncset.done $0x0  }
0x41: {  	s20 =	rddreg [dreg:$0x8];
	[sflag:s14] =	ssyncadd.s32 $0xFFFFE000  }
0x42: {  	[tilespmem:s5], [sflag:$0x1] =	stream.strided.gather [hbm4b:s20+s8], $0x2000, s9, s8, $0x38;
	[tilespmem:$0x17428] =	vst v63  }
0x43: {  	_ = 	snop  }
0x44: {  	[tilespmem:s15], [sflag:$0x4] =	stream.indirect.gather [spmem:s4], $0x1, s11, s11, $0xb8;
	[tilespmem:$0x17428] =	vst v63  }
0x45: {  	_ =	swait.ge [sflag:s16], $0x2000  }
0x46: {  	s21 =	rddreg [dreg:$0x9];
	[sflag:s16] =	ssyncset.done $0x0  }
0x47: {  	[sflag:s16] =	ssyncadd.s32 $0xFFFFE000;
	s0 =	sadd.s32 s1, s21  }
0x48: {  	[hbm4b:s0+s8] =	stream.strided.scatter [tilespmem:s15], [sflag:$0x6], $0x2000, s9, s8, $0x38;
	[tilespmem:$0x17428] =	vst v63  }
0x49: {  	_ =	swait.ge [sflag:s10], $0x2000  }
0x4a: {  	[sflag:s10] =	ssyncset.done $0x0  }
0x4b: {  	s22 =	rddreg [dreg:$0xa];
	[sflag:s10] =	ssyncadd.s32 $0xFFFFE000  }
0x4c: {  	[tilespmem:s11], [sflag:$0x2] =	stream.strided.gather [hbm4b:s22+s8], $0x2000, s9, s8, $0x38;
	[tilespmem:$0x17428] =	vst v63  }
0x4d: {  	_ = 	snop  }
0x4e: {  	[tilespmem:s12], [sflag:$0x3] =	stream.indirect.gather [spmem:s4], $0x1, s5, s11, $0xb8;
	[tilespmem:$0x17428] =	vst v63  }
0x4f: {  	_ =	swait.ge [sflag:s13], $0x2000  }
0x50: {  	[sflag:s13] =	ssyncset.done $0x0  }
0x51: {  	[sflag:s13] =	ssyncadd.s32 $0xFFFFE000  }
0x52: {  	_ =	swait.ge [sflag:s17], $0x2000  }
0x53: {  	s23 =	rddreg [dreg:$0xb];
	[sflag:s17] =	ssyncset.done $0x0  }
0x54: {  	[sflag:s17] =	ssyncadd.s32 $0xFFFFE000;
	s0 =	sadd.s32 s1, s23  }
0x55: {  	[hbm4b:s0+s8] =	stream.strided.scatter [tilespmem:s12], [sflag:$0x5], $0x2000, s9, s8, $0x38;
	[tilespmem:$0x17428] =	vst v63  }
0x56: {  	_ =	swait.ge [sflag:s14], $0x2000  }
0x57: {  	[sflag:s14] =	ssyncset.done $0x0  }
0x58: {  	s24 =	rddreg [dreg:$0xc];
	[sflag:s14] =	ssyncadd.s32 $0xFFFFE000  }
0x59: {  	[tilespmem:s5], [sflag:$0x1] =	stream.strided.gather [hbm4b:s24+s8], $0x2000, s9, s8, $0x38;
	[tilespmem:$0x17428] =	vst v63  }
0x5a: {  	_ = 	snop  }
0x5b: {  	[tilespmem:s15], [sflag:$0x4] =	stream.indirect.gather [spmem:s4], $0x1, s11, s11, $0xb8;
	[tilespmem:$0x17428] =	vst v63  }
0x5c: {  	_ =	swait.ge [sflag:s16], $0x2000  }
0x5d: {  	[sflag:s16] =	ssyncset.done $0x0  }
0x5e: {  	[sflag:s16] =	ssyncadd.s32 $0xFFFFE000  }
0x5f: {  	_ =	swait.ge [sflag:s18], $0x2000  }
0x60: {  	s26 =	rddreg [dreg:$0xd];
	[sflag:s18] =	ssyncset.done $0x0  }
0x61: {  	[sflag:s18] =	ssyncadd.s32 $0xFFFFE000;
	s0 =	sadd.s32 s1, s26  }
0x62: {  	[hbm4b:s0+s8] =	stream.strided.scatter [tilespmem:s15], [sflag:$0x6], $0x2000, s9, s8, $0x38;
	[tilespmem:$0x17428] =	vst v63  }
0x63: {  	_ =	swait.ge [sflag:s10], $0x2000  }
0x64: {  	[sflag:s10] =	ssyncset.done $0x0  }
0x65: {  	s28 =	rddreg [dreg:$0xe];
	[sflag:s10] =	ssyncadd.s32 $0xFFFFE000  }
0x66: {  	[tilespmem:s11], [sflag:$0x2] =	stream.strided.gather [hbm4b:s28+s8], $0x2000, s9, s8, $0x38;
	[tilespmem:$0x17428] =	vst v63  }
0x67: {  	_ = 	snop  }
0x68: {  	[tilespmem:s12], [sflag:$0x3] =	stream.indirect.gather [spmem:s4], $0x1, s5, s11, $0xb8;
	[tilespmem:$0x17428] =	vst v63  }
0x69: {  	_ =	swait.ge [sflag:s13], $0x2000  }
0x6a: {  	[sflag:s13] =	ssyncset.done $0x0  }
0x6b: {  	[sflag:s13] =	ssyncadd.s32 $0xFFFFE000  }
0x6c: {  	_ =	swait.ge [sflag:s17], $0x2000  }
0x6d: {  	s29 =	rddreg [dreg:$0xf];
	[sflag:s17] =	ssyncset.done $0x0  }
0x6e: {  	[sflag:s17] =	ssyncadd.s32 $0xFFFFE000;
	s0 =	sadd.s32 s1, s29  }
0x6f: {  	[hbm4b:s0+s8] =	stream.strided.scatter [tilespmem:s12], [sflag:$0x5], $0x2000, s9, s8, $0x38;
	[tilespmem:$0x17428] =	vst v63  }
0x70: {  	_ =	swait.ge [sflag:s14], $0x2000  }
0x71: {  	[sflag:s14] =	ssyncset.done $0x0  }
0x72: {  	s2 =	rddreg [dreg:$0x10];
	[sflag:s14] =	ssyncadd.s32 $0xFFFFE000  }
0x73: {  	[tilespmem:s5], [sflag:$0x1] =	stream.strided.gather [hbm4b:s2+s8], $0x2000, s9, s8, $0x38;
	[tilespmem:$0x17428] =	vst v63  }
0x74: {  	_ = 	snop  }
0x75: {  	[tilespmem:s15], [sflag:$0x4] =	stream.indirect.gather [spmem:s4], $0x1, s11, s11, $0xb8;
	[tilespmem:$0x17428] =	vst v63  }
0x76: {  	_ =	swait.ge [sflag:s16], $0x2000  }
0x77: {  	[sflag:s16] =	ssyncset.done $0x0  }
0x78: {  	[sflag:s16] =	ssyncadd.s32 $0xFFFFE000  }
0x79: {  	_ =	swait.ge [sflag:s18], $0x2000  }
0x7a: {  	s3 =	rddreg [dreg:$0x11];
	[sflag:s18] =	ssyncset.done $0x0  }
0x7b: {  	[sflag:s18] =	ssyncadd.s32 $0xFFFFE000;
	s0 =	sadd.s32 s1, s3  }
0x7c: {  	[hbm4b:s0+s8] =	stream.strided.scatter [tilespmem:s15], [sflag:$0x6], $0x2000, s9, s8, $0x38;
	[tilespmem:$0x17428] =	vst v63  }
0x7d: {  	_ =	swait.ge [sflag:s10], $0x2000  }
0x7e: {  	[sflag:s10] =	ssyncset.done $0x0  }
0x7f: {  	s6 =	rddreg [dreg:$0x12];
	[sflag:s10] =	ssyncadd.s32 $0xFFFFE000  }
0x80: {  	[tilespmem:s11], [sflag:$0x2] =	stream.strided.gather [hbm4b:s6+s8], $0x2000, s9, s8, $0x38;
	[tilespmem:$0x17428] =	vst v63  }
0x81: {  	_ = 	snop  }
0x82: {  	[tilespmem:s12], [sflag:$0x3] =	stream.indirect.gather [spmem:s4], $0x1, s5, s11, $0xb8;
	[tilespmem:$0x17428] =	vst v63  }
0x83: {  	_ =	swait.ge [sflag:s13], $0x2000  }
0x84: {  	[sflag:s13] =	ssyncset.done $0x0  }
0x85: {  	[sflag:s13] =	ssyncadd.s32 $0xFFFFE000  }
0x86: {  	_ =	swait.ge [sflag:s17], $0x2000  }
0x87: {  	s7 =	rddreg [dreg:$0x13];
	[sflag:s17] =	ssyncset.done $0x0  }
0x88: {  	[sflag:s17] =	ssyncadd.s32 $0xFFFFE000;
	s0 =	sadd.s32 s1, s7  }
0x89: {  	[hbm4b:s0+s8] =	stream.strided.scatter [tilespmem:s12], [sflag:$0x5], $0x2000, s9, s8, $0x38;
	[tilespmem:$0x17428] =	vst v63  }
0x8a: {  	_ =	swait.ge [sflag:s14], $0x2000  }
0x8b: {  	[sflag:s14] =	ssyncset.done $0x0  }
0x8c: {  	s19 =	rddreg [dreg:$0x14];
	[sflag:s14] =	ssyncadd.s32 $0xFFFFE000  }
0x8d: {  	[tilespmem:s5], [sflag:$0x1] =	stream.strided.gather [hbm4b:s19+s8], $0x2000, s9, s8, $0x38;
	[tilespmem:$0x17428] =	vst v63  }
0x8e: {  	_ = 	snop  }
0x8f: {  	[tilespmem:s15], [sflag:$0x4] =	stream.indirect.gather [spmem:s4], $0x1, s11, s11, $0xb8;
	[tilespmem:$0x17428] =	vst v63  }
0x90: {  	_ =	swait.ge [sflag:s16], $0x2000  }
0x91: {  	[sflag:s16] =	ssyncset.done $0x0  }
0x92: {  	[sflag:s16] =	ssyncadd.s32 $0xFFFFE000  }
0x93: {  	_ =	swait.ge [sflag:s18], $0x2000  }
0x94: {  	s20 =	rddreg [dreg:$0x15];
	[sflag:s18] =	ssyncset.done $0x0  }
0x95: {  	[sflag:s18] =	ssyncadd.s32 $0xFFFFE000;
	s0 =	sadd.s32 s1, s20  }
0x96: {  	[hbm4b:s0+s8] =	stream.strided.scatter [tilespmem:s15], [sflag:$0x6], $0x2000, s9, s8, $0x38;
	[tilespmem:$0x17428] =	vst v63  }
0x97: {  	_ =	swait.ge [sflag:s10], $0x2000  }
0x98: {  	[sflag:s10] =	ssyncset.done $0x0  }
0x99: {  	s21 =	rddreg [dreg:$0x16];
	[sflag:s10] =	ssyncadd.s32 $0xFFFFE000  }
0x9a: {  	[tilespmem:s11], [sflag:$0x2] =	stream.strided.gather [hbm4b:s21+s8], $0x2000, s9, s8, $0x38;
	[tilespmem:$0x17428] =	vst v63  }
0x9b: {  	_ = 	snop  }
0x9c: {  	[tilespmem:s12], [sflag:$0x3] =	stream.indirect.gather [spmem:s4], $0x1, s5, s11, $0xb8;
	[tilespmem:$0x17428] =	vst v63  }
0x9d: {  	_ =	swait.ge [sflag:s13], $0x2000  }
0x9e: {  	[sflag:s13] =	ssyncset.done $0x0  }
0x9f: {  	[sflag:s13] =	ssyncadd.s32 $0xFFFFE000  }
0xa0: {  	_ =	swait.ge [sflag:s17], $0x2000  }
0xa1: {  	s22 =	rddreg [dreg:$0x17];
	[sflag:s17] =	ssyncset.done $0x0  }
0xa2: {  	[sflag:s17] =	ssyncadd.s32 $0xFFFFE000;
	s0 =	sadd.s32 s1, s22  }
0xa3: {  	[hbm4b:s0+s8] =	stream.strided.scatter [tilespmem:s12], [sflag:$0x5], $0x2000, s9, s8, $0x38;
	[tilespmem:$0x17428] =	vst v63  }
0xa4: {  	_ =	swait.ge [sflag:s14], $0x2000  }
0xa5: {  	[sflag:s14] =	ssyncset.done $0x0  }
0xa6: {  	s23 =	rddreg [dreg:$0x18];
	[sflag:s14] =	ssyncadd.s32 $0xFFFFE000  }
0xa7: {  	[tilespmem:s5], [sflag:$0x1] =	stream.strided.gather [hbm4b:s23+s8], $0x2000, s9, s8, $0x38;
	[tilespmem:$0x17428] =	vst v63  }
0xa8: {  	_ = 	snop  }
0xa9: {  	[tilespmem:s15], [sflag:$0x4] =	stream.indirect.gather [spmem:s4], $0x1, s11, s11, $0xb8;
	[tilespmem:$0x17428] =	vst v63  }
0xaa: {  	_ =	swait.ge [sflag:s16], $0x2000  }
0xab: {  	[sflag:s16] =	ssyncset.done $0x0  }
0xac: {  	[sflag:s16] =	ssyncadd.s32 $0xFFFFE000  }
0xad: {  	_ =	swait.ge [sflag:s18], $0x2000  }
0xae: {  	s24 =	rddreg [dreg:$0x19];
	[sflag:s18] =	ssyncset.done $0x0  }
0xaf: {  	[sflag:s18] =	ssyncadd.s32 $0xFFFFE000;
	s0 =	sadd.s32 s1, s24  }
0xb0: {  	[hbm4b:s0+s8] =	stream.strided.scatter [tilespmem:s15], [sflag:$0x6], $0x2000, s9, s8, $0x38;
	[tilespmem:$0x17428] =	vst v63  }
0xb1: {  	_ =	swait.ge [sflag:s10], $0x2000  }
0xb2: {  	[sflag:s10] =	ssyncset.done $0x0  }
0xb3: {  	s26 =	rddreg [dreg:$0x1a];
	[sflag:s10] =	ssyncadd.s32 $0xFFFFE000  }
0xb4: {  	[tilespmem:s11], [sflag:$0x2] =	stream.strided.gather [hbm4b:s26+s8], $0x2000, s9, s8, $0x38;
	[tilespmem:$0x17428] =	vst v63  }
0xb5: {  	_ = 	snop  }
0xb6: {  	[tilespmem:s12], [sflag:$0x3] =	stream.indirect.gather [spmem:s4], $0x1, s5, s11, $0xb8;
	[tilespmem:$0x17428] =	vst v63  }
0xb7: {  	_ =	swait.ge [sflag:s13], $0x2000  }
0xb8: {  	[sflag:s13] =	ssyncset.done $0x0  }
0xb9: {  	[sflag:s13] =	ssyncadd.s32 $0xFFFFE000  }
0xba: {  	_ =	swait.ge [sflag:s17], $0x2000  }
0xbb: {  	s28 =	rddreg [dreg:$0x1b];
	[sflag:s17] =	ssyncset.done $0x0  }
0xbc: {  	[sflag:s17] =	ssyncadd.s32 $0xFFFFE000;
	s0 =	sadd.s32 s1, s28  }
0xbd: {  	[hbm4b:s0+s8] =	stream.strided.scatter [tilespmem:s12], [sflag:$0x5], $0x2000, s9, s8, $0x38;
	[tilespmem:$0x17428] =	vst v63  }
0xbe: {  	_ =	swait.ge [sflag:s14], $0x2000  }
0xbf: {  	s2 =	simm.s32 @!p1 $0x0;
	s6 =	simm.s32 @!p1 $0x80;
	[sflag:s14] =	ssyncset.done $0x0  }
0xc0: {  	s7 =	simm.s32 @!p1 $0x400;
	s0 =	rddreg [dreg:$0x1c];
	[sflag:s14] =	ssyncadd.s32 $0xFFFFE000  }
0xc1: {  	[tilespmem:s2], [sflag:$0x1] =	stream.strided.gather @!p1 [hbm4b:s0+s6], $0x2000, s7, s6, $0x38;
	[tilespmem:$0x17428] =	vst v63  }
0xc2: {  	_ = 	snop  }
0xc3: {  	[tilespmem:s15], [sflag:$0x4] =	stream.indirect.gather [spmem:s4], $0x1, s11, s11, $0xb8;
	[tilespmem:$0x17428] =	vst v63  }
0xc4: {  	_ =	swait.ge [sflag:s16], $0x2000  }
0xc5: {  	[sflag:s16] =	ssyncset.done $0x0  }
0xc6: {  	[sflag:s16] =	ssyncadd.s32 $0xFFFFE000  }
0xc7: {  	_ =	swait.ge [sflag:s18], $0x2000  }
0xc8: {  	s29 =	rddreg [dreg:$0x1d];
	[sflag:s18] =	ssyncset.done $0x0  }
0xc9: {  	s31 =	simm.s32 @!p1 $0x1;
	[sflag:s18] =	ssyncadd.s32 $0xFFFFE000;
	s0 =	sadd.s32 s1, s29  }
0xca: {  	[hbm4b:s0+s8] =	stream.strided.scatter [tilespmem:s15], [sflag:$0x6], $0x2000, s9, s8, $0x38;
	[tilespmem:$0x17428] =	vst v63  }
0xcb: {  	_ =	swait.ge @!p1 [sflag:s31], $0x2000  }
0xcc: {  	s3 =	simm.s32 @!p1 $0x2000;
	[sflag:s31] =	ssyncset.done @!p1 $0x0  }
0xcd: {  	s19 =	simm.s32 @!p1 $0x4000;
	s0 =	simm.s32 @!p1 $0x3;
	[sflag:s31] =	ssyncadd.s32 @!p1 $0xFFFFE000  }
0xce: {  	[tilespmem:s19], [sflag:$0x3] =	stream.indirect.gather @!p1 [spmem:s4], $0x1, s2, s3, $0xb8;
	[tilespmem:$0x17428] =	vst v63  }
0xcf: {  	_ =	swait.ge @!p1 [sflag:s0], $0x2000  }
0xd0: {  	[sflag:s0] =	ssyncset.done @!p1 $0x0  }
0xd1: {  	s2 =	simm.s32 @!p1 $0x5;
	[sflag:s0] =	ssyncadd.s32 @!p1 $0xFFFFE000  }
0xd2: {  	_ =	swait.ge @!p1 [sflag:s2], $0x2000  }
0xd3: {  	s21 =	simm.s32 @!p1 $0x6;
	s3 =	rddreg [dreg:$0x1e];
	[sflag:s2] =	ssyncset.done @!p1 $0x0  }
0xd4: {  	s21 =	simm.s32 @p1 $0x5;
	[sflag:s2] =	ssyncadd.s32 @!p1 $0xFFFFE000;
	s1 =	sadd.s32 @!p1 s1, s3  }
0xd5: {  	[hbm4b:s1+s6] =	stream.strided.scatter @!p1 [tilespmem:s19], [sflag:$0x5], $0x2000, s7, s6, $0x38;
	[tilespmem:$0x17428] =	vst v63  }
0xd6: {  	_ =	swait.ge [sflag:s21], $0x2000  }
0xd7: {  	s22 =	simm.s32 @!p1 $0x5;
	[sflag:s21] =	ssyncset.done $0x0  }
0xd8: {  	s30 =	simm.s32 $0x80;
	s22 =	simm.s32 @p1 $0x6;
	[sflag:s21] =	ssyncadd.s32 $0xFFFFE000  }
0xd9: {  	s23 =	simm.s32 $0x100;
	s24 =	simm.s32 $0x1;
	_ =	swait.ge [sflag:s22], $0x2000  }
0xda: {  	s3 =	simm.s32 @p0 $0x0;
	s1 =	simm.s32 $0x4000;
	[sflag:s22] =	ssyncset.done $0x0  }
.LBB2_2:
0xdb: {  	s3 =	smul.u32 @p0 $0x7A1400, s3  }
0xdc: {  	[sflag:s22] =	ssyncadd.s32 $0xFFFFE000;
	s7 =	sand.u32 @p0 $0x380, s30  }
0xdd: {  	[bflag:$0x0] =	sbarrier.arrive $0xFFFF;
	s3 =	sor.u32 @p0 s7, s3  }
0xde: {  	s20 =	rddreg [dreg:$0x5];
	s3 =	sshrl.u32 @p0 s3, $0x3  }
0xdf: {  	s3 =	sadd.s32 @p0 s20, s3;
	s20 =	sld [smem:$0x7FB]  }
0xe0: {  	s26 =	simm.s32 @p0 $0x1C07  }
0xe1: {  	s28 =	simm.s32 @p0 $0x10;
	s29 =	simm.s32 @p0 $0x80;
	s19 =	simm.s32 @p0 $0x1  }
0xe2: {  	[spmem:s20@s28], [sflag:s26] =	dma.strided @p0 [hbm:s3@s29], $0x1E850, s19, $0x10   }
0xe3: {  	_ =	swait.ge @p0 [sflag:s25], $0x1E850  }
0xe4: {  	[sflag:s25] =	ssyncset.done @p0 $0x0  }
0xe5: {  	[sflag:s25] =	ssyncadd.s32 @p0 $0xFFFE17B0  }
0xe6: {  	[bflag:$0x0] =	sbarrier.arrive $0xFFFF  }
0xe7: {  	s20 =	sld [smem:$0x7FC];
	_ =	sdelay $0x2  }
0xe8: {  	[tilespmem:s5], [sflag:$0x1] =	stream.strided.gather [hbm4b:s20+s8], $0x2000, s9, s8, $0x38;
	[tilespmem:$0x17428] =	vst v63  }
0xe9: {  	_ =	swait.ge [sflag:s10], $0x2000  }
0xea: {  	[sflag:s10] =	ssyncset.done $0x0  }
0xeb: {  	s26 =	rddreg [dreg:$0x6];
	[sflag:s10] =	ssyncadd.s32 $0xFFFFE000  }
0xec: {  	[tilespmem:s11], [sflag:$0x2] =	stream.strided.gather [hbm4b:s26+s8], $0x2000, s9, s8, $0x38;
	[tilespmem:$0x17428] =	vst v63  }
0xed: {  	_ = 	snop  }
0xee: {  	[tilespmem:s12], [sflag:$0x3] =	stream.indirect.gather [spmem:s4], $0x1, s5, s11, $0xb8;
	[tilespmem:$0x17428] =	vst v63  }
0xef: {  	_ =	swait.ge [sflag:s13], $0x2000  }
0xf0: {  	s29 =	sand.u32 $0x60000, s1;
	s20 =	sand.u32 @!p0 $0x380, s30;
	s28 =	rddreg [dreg:$0x7]  }
0xf1: {  	s20 =	smov.u32 @p0 s7;
	s3 =	sor.u32 s28, s29  }
0xf2: {  	[sflag:s13] =	ssyncset.done $0x0;
	s19 =	rddreg [dreg:$0x1f];
	s3 =	sor.u32 s20, s3  }
0xf3: {  	[sflag:s13] =	ssyncadd.s32 $0xFFFFE000;
	s3 =	sor.u32 s19, s3  }
0xf4: {  	s6 =	smov.u32 s23;
	s20 =	rddreg [dreg:$0x2];
	s3 =	sshrl.u32 s3, $0x3  }
0xf5: {  	s30 =	smov.u32 s6;
	s6 =	sadd.s32 s20, s3  }
0xf6: {  	[hbm4b:s6+s8] =	stream.strided.scatter [tilespmem:s12], [sflag:$0x5], $0x2000, s9, s8, $0x38;
	[tilespmem:$0x17428] =	vst v63  }
0xf7: {  	_ =	swait.ge [sflag:s14], $0x2000  }
0xf8: {  	[sflag:s14] =	ssyncset.done $0x0  }
0xf9: {  	s26 =	rddreg [dreg:$0x8];
	[sflag:s14] =	ssyncadd.s32 $0xFFFFE000  }
0xfa: {  	[tilespmem:s5], [sflag:$0x1] =	stream.strided.gather [hbm4b:s26+s8], $0x2000, s9, s8, $0x38;
	[tilespmem:$0x17428] =	vst v63  }
0xfb: {  	_ = 	snop  }
0xfc: {  	[tilespmem:s15], [sflag:$0x4] =	stream.indirect.gather [spmem:s4], $0x1, s11, s11, $0xb8;
	[tilespmem:$0x17428] =	vst v63  }
0xfd: {  	_ =	swait.ge [sflag:s16], $0x2000  }
0xfe: {  	s28 =	rddreg [dreg:$0x9];
	[sflag:s16] =	ssyncset.done $0x0  }
0xff: {  	[sflag:s16] =	ssyncadd.s32 $0xFFFFE000;
	s6 =	sadd.s32 s3, s28  }
0x100: {  	[hbm4b:s6+s8] =	stream.strided.scatter [tilespmem:s15], [sflag:$0x6], $0x2000, s9, s8, $0x38;
	[tilespmem:$0x17428] =	vst v63  }
0x101: {  	_ =	swait.ge [sflag:s10], $0x2000  }
0x102: {  	[sflag:s10] =	ssyncset.done $0x0  }
0x103: {  	s29 =	rddreg [dreg:$0xa];
	[sflag:s10] =	ssyncadd.s32 $0xFFFFE000  }
0x104: {  	[tilespmem:s11], [sflag:$0x2] =	stream.strided.gather [hbm4b:s29+s8], $0x2000, s9, s8, $0x38;
	[tilespmem:$0x17428] =	vst v63  }
0x105: {  	_ = 	snop  }
0x106: {  	[tilespmem:s12], [sflag:$0x3] =	stream.indirect.gather [spmem:s4], $0x1, s5, s11, $0xb8;
	[tilespmem:$0x17428] =	vst v63  }
0x107: {  	_ =	swait.ge [sflag:s13], $0x2000  }
0x108: {  	[sflag:s13] =	ssyncset.done $0x0  }
0x109: {  	[sflag:s13] =	ssyncadd.s32 $0xFFFFE000  }
0x10a: {  	_ =	swait.ge [sflag:s17], $0x2000  }
0x10b: {  	s7 =	rddreg [dreg:$0xb];
	[sflag:s17] =	ssyncset.done $0x0  }
0x10c: {  	[sflag:s17] =	ssyncadd.s32 $0xFFFFE000;
	s6 =	sadd.s32 s3, s7  }
0x10d: {  	[hbm4b:s6+s8] =	stream.strided.scatter [tilespmem:s12], [sflag:$0x5], $0x2000, s9, s8, $0x38;
	[tilespmem:$0x17428] =	vst v63  }
0x10e: {  	_ =	swait.ge [sflag:s14], $0x2000  }
0x10f: {  	[sflag:s14] =	ssyncset.done $0x0  }
0x110: {  	s19 =	rddreg [dreg:$0xc];
	[sflag:s14] =	ssyncadd.s32 $0xFFFFE000  }
0x111: {  	[tilespmem:s5], [sflag:$0x1] =	stream.strided.gather [hbm4b:s19+s8], $0x2000, s9, s8, $0x38;
	[tilespmem:$0x17428] =	vst v63  }
0x112: {  	_ = 	snop  }
0x113: {  	[tilespmem:s15], [sflag:$0x4] =	stream.indirect.gather [spmem:s4], $0x1, s11, s11, $0xb8;
	[tilespmem:$0x17428] =	vst v63  }
0x114: {  	_ =	swait.ge [sflag:s16], $0x2000  }
0x115: {  	[sflag:s16] =	ssyncset.done $0x0  }
0x116: {  	[sflag:s16] =	ssyncadd.s32 $0xFFFFE000  }
0x117: {  	_ =	swait.ge [sflag:s18], $0x2000  }
0x118: {  	s20 =	rddreg [dreg:$0xd];
	[sflag:s18] =	ssyncset.done $0x0  }
0x119: {  	[sflag:s18] =	ssyncadd.s32 $0xFFFFE000;
	s6 =	sadd.s32 s3, s20  }
0x11a: {  	[hbm4b:s6+s8] =	stream.strided.scatter [tilespmem:s15], [sflag:$0x6], $0x2000, s9, s8, $0x38;
	[tilespmem:$0x17428] =	vst v63  }
0x11b: {  	_ =	swait.ge [sflag:s10], $0x2000  }
0x11c: {  	[sflag:s10] =	ssyncset.done $0x0  }
0x11d: {  	s26 =	rddreg [dreg:$0xe];
	[sflag:s10] =	ssyncadd.s32 $0xFFFFE000  }
0x11e: {  	[tilespmem:s11], [sflag:$0x2] =	stream.strided.gather [hbm4b:s26+s8], $0x2000, s9, s8, $0x38;
	[tilespmem:$0x17428] =	vst v63  }
0x11f: {  	_ = 	snop  }
0x120: {  	[tilespmem:s12], [sflag:$0x3] =	stream.indirect.gather [spmem:s4], $0x1, s5, s11, $0xb8;
	[tilespmem:$0x17428] =	vst v63  }
0x121: {  	_ =	swait.ge [sflag:s13], $0x2000  }
0x122: {  	[sflag:s13] =	ssyncset.done $0x0  }
0x123: {  	[sflag:s13] =	ssyncadd.s32 $0xFFFFE000  }
0x124: {  	_ =	swait.ge [sflag:s17], $0x2000  }
0x125: {  	s28 =	rddreg [dreg:$0xf];
	[sflag:s17] =	ssyncset.done $0x0  }
0x126: {  	[sflag:s17] =	ssyncadd.s32 $0xFFFFE000;
	s6 =	sadd.s32 s3, s28  }
0x127: {  	[hbm4b:s6+s8] =	stream.strided.scatter [tilespmem:s12], [sflag:$0x5], $0x2000, s9, s8, $0x38;
	[tilespmem:$0x17428] =	vst v63  }
0x128: {  	_ =	swait.ge [sflag:s14], $0x2000  }
0x129: {  	[sflag:s14] =	ssyncset.done $0x0  }
0x12a: {  	s29 =	rddreg [dreg:$0x10];
	[sflag:s14] =	ssyncadd.s32 $0xFFFFE000  }
0x12b: {  	[tilespmem:s5], [sflag:$0x1] =	stream.strided.gather [hbm4b:s29+s8], $0x2000, s9, s8, $0x38;
	[tilespmem:$0x17428] =	vst v63  }
0x12c: {  	_ = 	snop  }
0x12d: {  	[tilespmem:s15], [sflag:$0x4] =	stream.indirect.gather [spmem:s4], $0x1, s11, s11, $0xb8;
	[tilespmem:$0x17428] =	vst v63  }
0x12e: {  	_ =	swait.ge [sflag:s16], $0x2000  }
0x12f: {  	[sflag:s16] =	ssyncset.done $0x0  }
0x130: {  	[sflag:s16] =	ssyncadd.s32 $0xFFFFE000  }
0x131: {  	_ =	swait.ge [sflag:s18], $0x2000  }
0x132: {  	s7 =	rddreg [dreg:$0x11];
	[sflag:s18] =	ssyncset.done $0x0  }
0x133: {  	[sflag:s18] =	ssyncadd.s32 $0xFFFFE000;
	s6 =	sadd.s32 s3, s7  }
0x134: {  	[hbm4b:s6+s8] =	stream.strided.scatter [tilespmem:s15], [sflag:$0x6], $0x2000, s9, s8, $0x38;
	[tilespmem:$0x17428] =	vst v63  }
0x135: {  	_ =	swait.ge [sflag:s10], $0x2000  }
0x136: {  	[sflag:s10] =	ssyncset.done $0x0  }
0x137: {  	s19 =	rddreg [dreg:$0x12];
	[sflag:s10] =	ssyncadd.s32 $0xFFFFE000  }
0x138: {  	[tilespmem:s11], [sflag:$0x2] =	stream.strided.gather [hbm4b:s19+s8], $0x2000, s9, s8, $0x38;
	[tilespmem:$0x17428] =	vst v63  }
0x139: {  	_ = 	snop  }
0x13a: {  	[tilespmem:s12], [sflag:$0x3] =	stream.indirect.gather [spmem:s4], $0x1, s5, s11, $0xb8;
	[tilespmem:$0x17428] =	vst v63  }
0x13b: {  	_ =	swait.ge [sflag:s13], $0x2000  }
0x13c: {  	[sflag:s13] =	ssyncset.done $0x0  }
0x13d: {  	[sflag:s13] =	ssyncadd.s32 $0xFFFFE000  }
0x13e: {  	_ =	swait.ge [sflag:s17], $0x2000  }
0x13f: {  	s20 =	rddreg [dreg:$0x13];
	[sflag:s17] =	ssyncset.done $0x0  }
0x140: {  	[sflag:s17] =	ssyncadd.s32 $0xFFFFE000;
	s6 =	sadd.s32 s3, s20  }
0x141: {  	[hbm4b:s6+s8] =	stream.strided.scatter [tilespmem:s12], [sflag:$0x5], $0x2000, s9, s8, $0x38;
	[tilespmem:$0x17428] =	vst v63  }
0x142: {  	_ =	swait.ge [sflag:s14], $0x2000  }
0x143: {  	[sflag:s14] =	ssyncset.done $0x0  }
0x144: {  	s26 =	rddreg [dreg:$0x14];
	[sflag:s14] =	ssyncadd.s32 $0xFFFFE000  }
0x145: {  	[tilespmem:s5], [sflag:$0x1] =	stream.strided.gather [hbm4b:s26+s8], $0x2000, s9, s8, $0x38;
	[tilespmem:$0x17428] =	vst v63  }
0x146: {  	_ = 	snop  }
0x147: {  	[tilespmem:s15], [sflag:$0x4] =	stream.indirect.gather [spmem:s4], $0x1, s11, s11, $0xb8;
	[tilespmem:$0x17428] =	vst v63  }
0x148: {  	_ =	swait.ge [sflag:s16], $0x2000  }
0x149: {  	[sflag:s16] =	ssyncset.done $0x0  }
0x14a: {  	[sflag:s16] =	ssyncadd.s32 $0xFFFFE000  }
0x14b: {  	_ =	swait.ge [sflag:s18], $0x2000  }
0x14c: {  	s28 =	rddreg [dreg:$0x15];
	[sflag:s18] =	ssyncset.done $0x0  }
0x14d: {  	[sflag:s18] =	ssyncadd.s32 $0xFFFFE000;
	s6 =	sadd.s32 s3, s28  }
0x14e: {  	[hbm4b:s6+s8] =	stream.strided.scatter [tilespmem:s15], [sflag:$0x6], $0x2000, s9, s8, $0x38;
	[tilespmem:$0x17428] =	vst v63  }
0x14f: {  	_ =	swait.ge [sflag:s10], $0x2000  }
0x150: {  	[sflag:s10] =	ssyncset.done $0x0  }
0x151: {  	s29 =	rddreg [dreg:$0x16];
	[sflag:s10] =	ssyncadd.s32 $0xFFFFE000  }
0x152: {  	[tilespmem:s11], [sflag:$0x2] =	stream.strided.gather [hbm4b:s29+s8], $0x2000, s9, s8, $0x38;
	[tilespmem:$0x17428] =	vst v63  }
0x153: {  	_ = 	snop  }
0x154: {  	[tilespmem:s12], [sflag:$0x3] =	stream.indirect.gather [spmem:s4], $0x1, s5, s11, $0xb8;
	[tilespmem:$0x17428] =	vst v63  }
0x155: {  	_ =	swait.ge [sflag:s13], $0x2000  }
0x156: {  	[sflag:s13] =	ssyncset.done $0x0  }
0x157: {  	[sflag:s13] =	ssyncadd.s32 $0xFFFFE000  }
0x158: {  	_ =	swait.ge [sflag:s17], $0x2000  }
0x159: {  	s7 =	rddreg [dreg:$0x17];
	[sflag:s17] =	ssyncset.done $0x0  }
0x15a: {  	[sflag:s17] =	ssyncadd.s32 $0xFFFFE000;
	s6 =	sadd.s32 s3, s7  }
0x15b: {  	[hbm4b:s6+s8] =	stream.strided.scatter [tilespmem:s12], [sflag:$0x5], $0x2000, s9, s8, $0x38;
	[tilespmem:$0x17428] =	vst v63  }
0x15c: {  	_ =	swait.ge [sflag:s14], $0x2000  }
0x15d: {  	[sflag:s14] =	ssyncset.done $0x0  }
0x15e: {  	s19 =	rddreg [dreg:$0x18];
	[sflag:s14] =	ssyncadd.s32 $0xFFFFE000  }
0x15f: {  	[tilespmem:s5], [sflag:$0x1] =	stream.strided.gather [hbm4b:s19+s8], $0x2000, s9, s8, $0x38;
	[tilespmem:$0x17428] =	vst v63  }
0x160: {  	_ = 	snop  }
0x161: {  	[tilespmem:s15], [sflag:$0x4] =	stream.indirect.gather [spmem:s4], $0x1, s11, s11, $0xb8;
	[tilespmem:$0x17428] =	vst v63  }
0x162: {  	_ =	swait.ge [sflag:s16], $0x2000  }
0x163: {  	[sflag:s16] =	ssyncset.done $0x0  }
0x164: {  	[sflag:s16] =	ssyncadd.s32 $0xFFFFE000  }
0x165: {  	_ =	swait.ge [sflag:s18], $0x2000  }
0x166: {  	s20 =	rddreg [dreg:$0x19];
	[sflag:s18] =	ssyncset.done $0x0  }
0x167: {  	[sflag:s18] =	ssyncadd.s32 $0xFFFFE000;
	s6 =	sadd.s32 s3, s20  }
0x168: {  	[hbm4b:s6+s8] =	stream.strided.scatter [tilespmem:s15], [sflag:$0x6], $0x2000, s9, s8, $0x38;
	[tilespmem:$0x17428] =	vst v63  }
0x169: {  	_ =	swait.ge [sflag:s10], $0x2000  }
0x16a: {  	[sflag:s10] =	ssyncset.done $0x0  }
0x16b: {  	s26 =	rddreg [dreg:$0x1a];
	[sflag:s10] =	ssyncadd.s32 $0xFFFFE000  }
0x16c: {  	[tilespmem:s11], [sflag:$0x2] =	stream.strided.gather [hbm4b:s26+s8], $0x2000, s9, s8, $0x38;
	[tilespmem:$0x17428] =	vst v63  }
0x16d: {  	_ = 	snop  }
0x16e: {  	[tilespmem:s12], [sflag:$0x3] =	stream.indirect.gather [spmem:s4], $0x1, s5, s11, $0xb8;
	[tilespmem:$0x17428] =	vst v63  }
0x16f: {  	_ =	swait.ge [sflag:s13], $0x2000  }
0x170: {  	[sflag:s13] =	ssyncset.done $0x0  }
0x171: {  	[sflag:s13] =	ssyncadd.s32 $0xFFFFE000  }
0x172: {  	_ =	swait.ge [sflag:s17], $0x2000  }
0x173: {  	s28 =	rddreg [dreg:$0x1b];
	[sflag:s17] =	ssyncset.done $0x0  }
0x174: {  	[sflag:s17] =	ssyncadd.s32 $0xFFFFE000;
	s6 =	sadd.s32 s3, s28  }
0x175: {  	[hbm4b:s6+s8] =	stream.strided.scatter [tilespmem:s12], [sflag:$0x5], $0x2000, s9, s8, $0x38;
	[tilespmem:$0x17428] =	vst v63  }
0x176: {  	_ =	swait.ge [sflag:s14], $0x2000  }
0x177: {  	s7 =	simm.s32 @!p1 $0x0;
	s19 =	simm.s32 @!p1 $0x80;
	[sflag:s14] =	ssyncset.done $0x0  }
0x178: {  	s20 =	simm.s32 @!p1 $0x400;
	s6 =	rddreg [dreg:$0x1c];
	[sflag:s14] =	ssyncadd.s32 $0xFFFFE000  }
0x179: {  	[tilespmem:s7], [sflag:$0x1] =	stream.strided.gather @!p1 [hbm4b:s6+s19], $0x2000, s20, s19, $0x38;
	[tilespmem:$0x17428] =	vst v63  }
0x17a: {  	_ = 	snop  }
0x17b: {  	[tilespmem:s15], [sflag:$0x4] =	stream.indirect.gather [spmem:s4], $0x1, s11, s11, $0xb8;
	[tilespmem:$0x17428] =	vst v63  }
0x17c: {  	_ =	swait.ge [sflag:s16], $0x2000  }
0x17d: {  	[sflag:s16] =	ssyncset.done $0x0  }
0x17e: {  	[sflag:s16] =	ssyncadd.s32 $0xFFFFE000  }
0x17f: {  	_ =	swait.ge [sflag:s18], $0x2000  }
0x180: {  	s29 =	rddreg [dreg:$0x1d];
	[sflag:s18] =	ssyncset.done $0x0  }
0x181: {  	[sflag:s18] =	ssyncadd.s32 $0xFFFFE000;
	s6 =	sadd.s32 s3, s29  }
0x182: {  	[hbm4b:s6+s8] =	stream.strided.scatter [tilespmem:s15], [sflag:$0x6], $0x2000, s9, s8, $0x38;
	[tilespmem:$0x17428] =	vst v63  }
0x183: {  	_ =	swait.ge @!p1 [sflag:s31], $0x2000  }
0x184: {  	[sflag:s31] =	ssyncset.done @!p1 $0x0  }
0x185: {  	s26 =	simm.s32 @!p1 $0x4000;
	s6 =	simm.s32 @!p1 $0x2000;
	[sflag:s31] =	ssyncadd.s32 @!p1 $0xFFFFE000  }
0x186: {  	[tilespmem:s26], [sflag:$0x3] =	stream.indirect.gather @!p1 [spmem:s4], $0x1, s7, s6, $0xb8;
	[tilespmem:$0x17428] =	vst v63  }
0x187: {  	_ =	swait.ge @!p1 [sflag:s0], $0x2000  }
0x188: {  	[sflag:s0] =	ssyncset.done @!p1 $0x0  }
0x189: {  	[sflag:s0] =	ssyncadd.s32 @!p1 $0xFFFFE000  }
0x18a: {  	_ =	swait.ge @!p1 [sflag:s2], $0x2000  }
0x18b: {  	s23 =	sadd.s32 $0x80, s23;
	s6 =	rddreg [dreg:$0x1e];
	[sflag:s2] =	ssyncset.done @!p1 $0x0  }
0x18c: {  	p2 =	sne.s32 s23, $0x1000;
	[sflag:s2] =	ssyncadd.s32 @!p1 $0xFFFFE000;
	s3 =	sadd.s32 @!p1 s3, s6  }
0x18d: {  	[hbm4b:s3+s19] =	stream.strided.scatter @!p1 [tilespmem:s26], [sflag:$0x5], $0x2000, s20, s19, $0x38;
	[tilespmem:$0x17428] =	vst v63  }
.Ltmp0:
0x18e: {  	_ =	swait.ge [sflag:s21], $0x2000;
	(pc) =	sbr.rel @p2 .LBB2_2-.Ltmp0, $4  }
0x18f: {  	[sflag:s21] =	ssyncset.done $0x0  }
0x190: {  	[sflag:s21] =	ssyncadd.s32 $0xFFFFE000  }
0x191: {  	s24 =	sadd.s32 $0x1, s24;
	_ =	swait.ge [sflag:s22], $0x2000  }
0x192: {  	s1 =	sadd.s32 $0x4000, s1;
	s3 =	sshrl.u32 @p0 s24, $0x3;
	[sflag:s22] =	ssyncset.done $0x0  }
0x193: {  	[sflag:s22] =	ssyncadd.s32 $0xFFFFE000;
	s0 =	smul.u32 @p0 $0x7A1400, s3  }
0x194: {  	s2 =	sand.u32 @p0 $0x380, s30;
	[bflag:$0x0] =	sbarrier.arrive $0xFFFF  }
0x195: {  	s6 =	simm.s32 @p0 $0x1C07;
	s0 =	sor.u32 @p0 s2, s0;
	s20 =	sld [smem:$0x7FB]  }
0x196: {  	s7 =	simm.s32 @p0 $0x10;
	s3 =	rddreg [dreg:$0x5];
	s0 =	sshrl.u32 @p0 s0, $0x3  }
0x197: {  	s19 =	simm.s32 @p0 $0x80;
	s0 =	sadd.s32 @p0 s3, s0;
	s3 =	simm.s32 @p0 $0x1  }
0x198: {  	[spmem:s20@s7], [sflag:s6] =	dma.strided @p0 [hbm:s0@s19], $0x1E850, s3, $0x10   }
0x199: {  	s0 =	simm.s32 @p0 $0x7  }
0x19a: {  	_ =	swait.ge @p0 [sflag:s0], $0x1E850  }
0x19b: {  	[sflag:s0] =	ssyncset.done @p0 $0x0  }
0x19c: {  	[sflag:s0] =	ssyncadd.s32 @p0 $0xFFFE17B0  }
0x19d: {  	[bflag:$0x0] =	sbarrier.arrive $0xFFFF  }
0x19e: {  	s19 =	sld [smem:$0x7FC];
	_ =	sdelay $0x2  }
0x19f: {  	[tilespmem:s5], [sflag:$0x1] =	stream.strided.gather [hbm4b:s19+s8], $0x2000, s9, s8, $0x38;
	[tilespmem:$0x17428] =	vst v63  }
0x1a0: {  	_ =	swait.ge [sflag:s10], $0x2000  }
0x1a1: {  	[sflag:s10] =	ssyncset.done $0x0  }
0x1a2: {  	s20 =	rddreg [dreg:$0x6];
	[sflag:s10] =	ssyncadd.s32 $0xFFFFE000  }
0x1a3: {  	[tilespmem:s11], [sflag:$0x2] =	stream.strided.gather [hbm4b:s20+s8], $0x2000, s9, s8, $0x38;
	[tilespmem:$0x17428] =	vst v63  }
0x1a4: {  	_ = 	snop  }
0x1a5: {  	[tilespmem:s12], [sflag:$0x3] =	stream.indirect.gather [spmem:s4], $0x1, s5, s11, $0xb8;
	[tilespmem:$0x17428] =	vst v63  }
0x1a6: {  	_ =	swait.ge [sflag:s13], $0x2000  }
0x1a7: {  	s1 =	sand.u32 $0x60000, s1;
	s3 =	sand.u32 @!p0 $0x380, s30;
	s21 =	rddreg [dreg:$0x7]  }
0x1a8: {  	s3 =	smov.u32 @p0 s2;
	s0 =	sor.u32 s21, s1  }
0x1a9: {  	s22 =	rddreg [dreg:$0x1f];
	[sflag:s13] =	ssyncset.done $0x0;
	s0 =	sor.u32 s3, s0  }
0x1aa: {  	[sflag:s13] =	ssyncadd.s32 $0xFFFFE000;
	s0 =	sor.u32 s22, s0  }
0x1ab: {  	s23 =	rddreg [dreg:$0x2];
	s0 =	sshrl.u32 s0, $0x3  }
0x1ac: {  	s1 =	sadd.s32 s23, s0  }
0x1ad: {  	[hbm4b:s1+s8] =	stream.strided.scatter [tilespmem:s12], [sflag:$0x5], $0x2000, s9, s8, $0x38;
	[tilespmem:$0x17428] =	vst v63  }
0x1ae: {  	_ =	swait.ge [sflag:s14], $0x2000  }
0x1af: {  	[sflag:s14] =	ssyncset.done $0x0  }
0x1b0: {  	s24 =	rddreg [dreg:$0x8];
	[sflag:s14] =	ssyncadd.s32 $0xFFFFE000  }
0x1b1: {  	[tilespmem:s5], [sflag:$0x1] =	stream.strided.gather [hbm4b:s24+s8], $0x2000, s9, s8, $0x38;
	[tilespmem:$0x17428] =	vst v63  }
0x1b2: {  	_ = 	snop  }
0x1b3: {  	[tilespmem:s15], [sflag:$0x4] =	stream.indirect.gather [spmem:s4], $0x1, s11, s11, $0xb8;
	[tilespmem:$0x17428] =	vst v63  }
0x1b4: {  	_ =	swait.ge [sflag:s16], $0x2000  }
0x1b5: {  	s25 =	rddreg [dreg:$0x9];
	[sflag:s16] =	ssyncset.done $0x0  }
0x1b6: {  	[sflag:s16] =	ssyncadd.s32 $0xFFFFE000;
	s1 =	sadd.s32 s0, s25  }
0x1b7: {  	[hbm4b:s1+s8] =	stream.strided.scatter [tilespmem:s15], [sflag:$0x6], $0x2000, s9, s8, $0x38;
	[tilespmem:$0x17428] =	vst v63  }
0x1b8: {  	_ =	swait.ge [sflag:s10], $0x2000  }
0x1b9: {  	[sflag:s10] =	ssyncset.done $0x0  }
0x1ba: {  	s26 =	rddreg [dreg:$0xa];
	[sflag:s10] =	ssyncadd.s32 $0xFFFFE000  }
0x1bb: {  	[tilespmem:s11], [sflag:$0x2] =	stream.strided.gather [hbm4b:s26+s8], $0x2000, s9, s8, $0x38;
	[tilespmem:$0x17428] =	vst v63  }
0x1bc: {  	_ = 	snop  }
0x1bd: {  	[tilespmem:s12], [sflag:$0x3] =	stream.indirect.gather [spmem:s4], $0x1, s5, s11, $0xb8;
	[tilespmem:$0x17428] =	vst v63  }
0x1be: {  	_ =	swait.ge [sflag:s13], $0x2000  }
0x1bf: {  	[sflag:s13] =	ssyncset.done $0x0  }
0x1c0: {  	[sflag:s13] =	ssyncadd.s32 $0xFFFFE000  }
0x1c1: {  	_ =	swait.ge [sflag:s17], $0x2000  }
0x1c2: {  	s28 =	rddreg [dreg:$0xb];
	[sflag:s17] =	ssyncset.done $0x0  }
0x1c3: {  	[sflag:s17] =	ssyncadd.s32 $0xFFFFE000;
	s1 =	sadd.s32 s0, s28  }
0x1c4: {  	[hbm4b:s1+s8] =	stream.strided.scatter [tilespmem:s12], [sflag:$0x5], $0x2000, s9, s8, $0x38;
	[tilespmem:$0x17428] =	vst v63  }
0x1c5: {  	_ =	swait.ge [sflag:s14], $0x2000  }
0x1c6: {  	[sflag:s14] =	ssyncset.done $0x0  }
0x1c7: {  	s29 =	rddreg [dreg:$0xc];
	[sflag:s14] =	ssyncadd.s32 $0xFFFFE000  }
0x1c8: {  	[tilespmem:s5], [sflag:$0x1] =	stream.strided.gather [hbm4b:s29+s8], $0x2000, s9, s8, $0x38;
	[tilespmem:$0x17428] =	vst v63  }
0x1c9: {  	_ = 	snop  }
0x1ca: {  	[tilespmem:s15], [sflag:$0x4] =	stream.indirect.gather [spmem:s4], $0x1, s11, s11, $0xb8;
	[tilespmem:$0x17428] =	vst v63  }
0x1cb: {  	_ =	swait.ge [sflag:s16], $0x2000  }
0x1cc: {  	[sflag:s16] =	ssyncset.done $0x0  }
0x1cd: {  	[sflag:s16] =	ssyncadd.s32 $0xFFFFE000  }
0x1ce: {  	_ =	swait.ge [sflag:s18], $0x2000  }
0x1cf: {  	s30 =	rddreg [dreg:$0xd];
	[sflag:s18] =	ssyncset.done $0x0  }
0x1d0: {  	[sflag:s18] =	ssyncadd.s32 $0xFFFFE000;
	s1 =	sadd.s32 s0, s30  }
0x1d1: {  	[hbm4b:s1+s8] =	stream.strided.scatter [tilespmem:s15], [sflag:$0x6], $0x2000, s9, s8, $0x38;
	[tilespmem:$0x17428] =	vst v63  }
0x1d2: {  	_ =	swait.ge [sflag:s10], $0x2000  }
0x1d3: {  	[sflag:s10] =	ssyncset.done $0x0  }
0x1d4: {  	s31 =	rddreg [dreg:$0xe];
	[sflag:s10] =	ssyncadd.s32 $0xFFFFE000  }
0x1d5: {  	[tilespmem:s11], [sflag:$0x2] =	stream.strided.gather [hbm4b:s31+s8], $0x2000, s9, s8, $0x38;
	[tilespmem:$0x17428] =	vst v63  }
0x1d6: {  	_ = 	snop  }
0x1d7: {  	[tilespmem:s12], [sflag:$0x3] =	stream.indirect.gather [spmem:s4], $0x1, s5, s11, $0xb8;
	[tilespmem:$0x17428] =	vst v63  }
0x1d8: {  	_ =	swait.ge [sflag:s13], $0x2000  }
0x1d9: {  	[sflag:s13] =	ssyncset.done $0x0  }
0x1da: {  	[sflag:s13] =	ssyncadd.s32 $0xFFFFE000  }
0x1db: {  	_ =	swait.ge [sflag:s17], $0x2000  }
0x1dc: {  	s2 =	rddreg [dreg:$0xf];
	[sflag:s17] =	ssyncset.done $0x0  }
0x1dd: {  	[sflag:s17] =	ssyncadd.s32 $0xFFFFE000;
	s1 =	sadd.s32 s0, s2  }
0x1de: {  	[hbm4b:s1+s8] =	stream.strided.scatter [tilespmem:s12], [sflag:$0x5], $0x2000, s9, s8, $0x38;
	[tilespmem:$0x17428] =	vst v63  }
0x1df: {  	_ =	swait.ge [sflag:s14], $0x2000  }
0x1e0: {  	[sflag:s14] =	ssyncset.done $0x0  }
0x1e1: {  	s3 =	rddreg [dreg:$0x10];
	[sflag:s14] =	ssyncadd.s32 $0xFFFFE000  }
0x1e2: {  	[tilespmem:s5], [sflag:$0x1] =	stream.strided.gather [hbm4b:s3+s8], $0x2000, s9, s8, $0x38;
	[tilespmem:$0x17428] =	vst v63  }
0x1e3: {  	_ = 	snop  }
0x1e4: {  	[tilespmem:s15], [sflag:$0x4] =	stream.indirect.gather [spmem:s4], $0x1, s11, s11, $0xb8;
	[tilespmem:$0x17428] =	vst v63  }
0x1e5: {  	_ =	swait.ge [sflag:s16], $0x2000  }
0x1e6: {  	[sflag:s16] =	ssyncset.done $0x0  }
0x1e7: {  	[sflag:s16] =	ssyncadd.s32 $0xFFFFE000  }
0x1e8: {  	_ =	swait.ge [sflag:s18], $0x2000  }
0x1e9: {  	s6 =	rddreg [dreg:$0x11];
	[sflag:s18] =	ssyncset.done $0x0  }
0x1ea: {  	[sflag:s18] =	ssyncadd.s32 $0xFFFFE000;
	s1 =	sadd.s32 s0, s6  }
0x1eb: {  	[hbm4b:s1+s8] =	stream.strided.scatter [tilespmem:s15], [sflag:$0x6], $0x2000, s9, s8, $0x38;
	[tilespmem:$0x17428] =	vst v63  }
0x1ec: {  	_ =	swait.ge [sflag:s10], $0x2000  }
0x1ed: {  	[sflag:s10] =	ssyncset.done $0x0  }
0x1ee: {  	s7 =	rddreg [dreg:$0x12];
	[sflag:s10] =	ssyncadd.s32 $0xFFFFE000  }
0x1ef: {  	[tilespmem:s11], [sflag:$0x2] =	stream.strided.gather [hbm4b:s7+s8], $0x2000, s9, s8, $0x38;
	[tilespmem:$0x17428] =	vst v63  }
0x1f0: {  	_ = 	snop  }
0x1f1: {  	[tilespmem:s12], [sflag:$0x3] =	stream.indirect.gather [spmem:s4], $0x1, s5, s11, $0xb8;
	[tilespmem:$0x17428] =	vst v63  }
0x1f2: {  	_ =	swait.ge [sflag:s13], $0x2000  }
0x1f3: {  	[sflag:s13] =	ssyncset.done $0x0  }
0x1f4: {  	[sflag:s13] =	ssyncadd.s32 $0xFFFFE000  }
0x1f5: {  	_ =	swait.ge [sflag:s17], $0x2000  }
0x1f6: {  	s19 =	rddreg [dreg:$0x13];
	[sflag:s17] =	ssyncset.done $0x0  }
0x1f7: {  	[sflag:s17] =	ssyncadd.s32 $0xFFFFE000;
	s1 =	sadd.s32 s0, s19  }
0x1f8: {  	[hbm4b:s1+s8] =	stream.strided.scatter [tilespmem:s12], [sflag:$0x5], $0x2000, s9, s8, $0x38;
	[tilespmem:$0x17428] =	vst v63  }
0x1f9: {  	_ =	swait.ge [sflag:s14], $0x2000  }
0x1fa: {  	[sflag:s14] =	ssyncset.done $0x0  }
0x1fb: {  	s20 =	rddreg [dreg:$0x14];
	[sflag:s14] =	ssyncadd.s32 $0xFFFFE000  }
0x1fc: {  	[tilespmem:s5], [sflag:$0x1] =	stream.strided.gather [hbm4b:s20+s8], $0x2000, s9, s8, $0x38;
	[tilespmem:$0x17428] =	vst v63  }
0x1fd: {  	_ = 	snop  }
0x1fe: {  	[tilespmem:s15], [sflag:$0x4] =	stream.indirect.gather [spmem:s4], $0x1, s11, s11, $0xb8;
	[tilespmem:$0x17428] =	vst v63  }
0x1ff: {  	_ =	swait.ge [sflag:s16], $0x2000  }
0x200: {  	[sflag:s16] =	ssyncset.done $0x0  }
0x201: {  	[sflag:s16] =	ssyncadd.s32 $0xFFFFE000  }
0x202: {  	_ =	swait.ge [sflag:s18], $0x2000  }
0x203: {  	s21 =	rddreg [dreg:$0x15];
	[sflag:s18] =	ssyncset.done $0x0  }
0x204: {  	[sflag:s18] =	ssyncadd.s32 $0xFFFFE000;
	s1 =	sadd.s32 s0, s21  }
0x205: {  	[hbm4b:s1+s8] =	stream.strided.scatter [tilespmem:s15], [sflag:$0x6], $0x2000, s9, s8, $0x38;
	[tilespmem:$0x17428] =	vst v63  }
0x206: {  	_ =	swait.ge [sflag:s10], $0x2000  }
0x207: {  	[sflag:s10] =	ssyncset.done $0x0  }
0x208: {  	s22 =	rddreg [dreg:$0x16];
	[sflag:s10] =	ssyncadd.s32 $0xFFFFE000  }
0x209: {  	[tilespmem:s11], [sflag:$0x2] =	stream.strided.gather [hbm4b:s22+s8], $0x2000, s9, s8, $0x38;
	[tilespmem:$0x17428] =	vst v63  }
0x20a: {  	_ = 	snop  }
0x20b: {  	[tilespmem:s12], [sflag:$0x3] =	stream.indirect.gather [spmem:s4], $0x1, s5, s11, $0xb8;
	[tilespmem:$0x17428] =	vst v63  }
0x20c: {  	_ =	swait.ge [sflag:s13], $0x2000  }
0x20d: {  	[sflag:s13] =	ssyncset.done $0x0  }
0x20e: {  	[sflag:s13] =	ssyncadd.s32 $0xFFFFE000  }
0x20f: {  	_ =	swait.ge [sflag:s17], $0x2000  }
0x210: {  	s23 =	rddreg [dreg:$0x17];
	[sflag:s17] =	ssyncset.done $0x0  }
0x211: {  	[sflag:s17] =	ssyncadd.s32 $0xFFFFE000;
	s1 =	sadd.s32 s0, s23  }
0x212: {  	[hbm4b:s1+s8] =	stream.strided.scatter [tilespmem:s12], [sflag:$0x5], $0x2000, s9, s8, $0x38;
	[tilespmem:$0x17428] =	vst v63  }
0x213: {  	_ =	swait.ge [sflag:s14], $0x2000  }
0x214: {  	[sflag:s14] =	ssyncset.done $0x0  }
0x215: {  	s24 =	rddreg [dreg:$0x18];
	[sflag:s14] =	ssyncadd.s32 $0xFFFFE000  }
0x216: {  	[tilespmem:s5], [sflag:$0x1] =	stream.strided.gather [hbm4b:s24+s8], $0x2000, s9, s8, $0x38;
	[tilespmem:$0x17428] =	vst v63  }
0x217: {  	_ = 	snop  }
0x218: {  	[tilespmem:s15], [sflag:$0x4] =	stream.indirect.gather [spmem:s4], $0x1, s11, s11, $0xb8;
	[tilespmem:$0x17428] =	vst v63  }
0x219: {  	_ =	swait.ge [sflag:s16], $0x2000  }
0x21a: {  	[sflag:s16] =	ssyncset.done $0x0  }
0x21b: {  	[sflag:s16] =	ssyncadd.s32 $0xFFFFE000  }
0x21c: {  	_ =	swait.ge [sflag:s18], $0x2000  }
0x21d: {  	s25 =	rddreg [dreg:$0x19];
	[sflag:s18] =	ssyncset.done $0x0  }
0x21e: {  	[sflag:s18] =	ssyncadd.s32 $0xFFFFE000;
	s1 =	sadd.s32 s0, s25  }
0x21f: {  	[hbm4b:s1+s8] =	stream.strided.scatter [tilespmem:s15], [sflag:$0x6], $0x2000, s9, s8, $0x38;
	[tilespmem:$0x17428] =	vst v63  }
0x220: {  	_ =	swait.ge [sflag:s10], $0x2000  }
0x221: {  	[sflag:s10] =	ssyncset.done $0x0  }
0x222: {  	s26 =	rddreg [dreg:$0x1a];
	[sflag:s10] =	ssyncadd.s32 $0xFFFFE000  }
0x223: {  	[tilespmem:s11], [sflag:$0x2] =	stream.strided.gather [hbm4b:s26+s8], $0x2000, s9, s8, $0x38;
	[tilespmem:$0x17428] =	vst v63  }
0x224: {  	_ = 	snop  }
0x225: {  	[tilespmem:s12], [sflag:$0x3] =	stream.indirect.gather [spmem:s4], $0x1, s5, s11, $0xb8;
	[tilespmem:$0x17428] =	vst v63  }
0x226: {  	_ =	swait.ge [sflag:s13], $0x2000  }
0x227: {  	[sflag:s13] =	ssyncset.done $0x0  }
0x228: {  	[sflag:s13] =	ssyncadd.s32 $0xFFFFE000  }
0x229: {  	_ =	swait.ge [sflag:s17], $0x2000  }
0x22a: {  	s28 =	rddreg [dreg:$0x1b];
	[sflag:s17] =	ssyncset.done $0x0  }
0x22b: {  	[sflag:s17] =	ssyncadd.s32 $0xFFFFE000;
	s1 =	sadd.s32 s0, s28  }
0x22c: {  	[hbm4b:s1+s8] =	stream.strided.scatter [tilespmem:s12], [sflag:$0x5], $0x2000, s9, s8, $0x38;
	[tilespmem:$0x17428] =	vst v63  }
0x22d: {  	_ =	swait.ge [sflag:s14], $0x2000  }
0x22e: {  	s2 =	simm.s32 @!p1 $0x0;
	s3 =	simm.s32 @!p1 $0x80;
	[sflag:s14] =	ssyncset.done $0x0  }
0x22f: {  	s6 =	simm.s32 @!p1 $0x400;
	s1 =	rddreg [dreg:$0x1c];
	[sflag:s14] =	ssyncadd.s32 $0xFFFFE000  }
0x230: {  	[tilespmem:s2], [sflag:$0x1] =	stream.strided.gather @!p1 [hbm4b:s1+s3], $0x2000, s6, s3, $0x38;
	[tilespmem:$0x17428] =	vst v63  }
0x231: {  	_ = 	snop  }
0x232: {  	[tilespmem:s15], [sflag:$0x4] =	stream.indirect.gather [spmem:s4], $0x1, s11, s11, $0xb8;
	[tilespmem:$0x17428] =	vst v63  }
0x233: {  	_ =	swait.ge [sflag:s16], $0x2000  }
0x234: {  	[sflag:s16] =	ssyncset.done $0x0  }
0x235: {  	[sflag:s16] =	ssyncadd.s32 $0xFFFFE000  }
0x236: {  	_ =	swait.ge [sflag:s18], $0x2000  }
0x237: {  	s29 =	rddreg [dreg:$0x1d];
	[sflag:s18] =	ssyncset.done $0x0  }
0x238: {  	s7 =	simm.s32 @!p1 $0x1;
	[sflag:s18] =	ssyncadd.s32 $0xFFFFE000;
	s1 =	sadd.s32 s0, s29  }
0x239: {  	[hbm4b:s1+s8] =	stream.strided.scatter [tilespmem:s15], [sflag:$0x6], $0x2000, s9, s8, $0x38;
	[tilespmem:$0x17428] =	vst v63  }
0x23a: {  	_ =	swait.ge @!p1 [sflag:s7], $0x2000  }
0x23b: {  	[sflag:s7] =	ssyncset.done @!p1 $0x0  }
0x23c: {  	s1 =	simm.s32 @!p1 $0x2000;
	[sflag:s7] =	ssyncadd.s32 @!p1 $0xFFFFE000;
	s7 =	simm.s32 @!p1 $0x4000  }
0x23d: {  	[tilespmem:s7], [sflag:$0x3] =	stream.indirect.gather @!p1 [spmem:s4], $0x1, s2, s1, $0xb8;
	[tilespmem:$0x17428] =	vst v63  }
0x23e: {  	s1 =	simm.s32 @!p1 $0x3  }
0x23f: {  	_ =	swait.ge @!p1 [sflag:s1], $0x2000  }
0x240: {  	[sflag:s1] =	ssyncset.done @!p1 $0x0  }
0x241: {  	s2 =	simm.s32 @!p1 $0x5;
	[sflag:s1] =	ssyncadd.s32 @!p1 $0xFFFFE000  }
0x242: {  	_ =	swait.ge @!p1 [sflag:s2], $0x2000  }
0x243: {  	s1 =	rddreg [dreg:$0x1e];
	[sflag:s2] =	ssyncset.done @!p1 $0x0  }
0x244: {  	s0 =	sadd.s32 @!p1 s0, s1;
	[sflag:s2] =	ssyncadd.s32 @!p1 $0xFFFFE000  }
0x245: {  	[hbm4b:s0+s3] =	stream.strided.scatter @!p1 [tilespmem:s7], [sflag:$0x5], $0x2000, s6, s3, $0x38;
	[tilespmem:$0x17428] =	vst v63  }
0x246: {  	s0 =	simm.s32 @!p1 $0x6  }
0x247: {  	s0 =	simm.s32 @p1 $0x5  }
0x248: {  	_ =	swait.ge [sflag:s0], $0x2000  }
0x249: {  	[sflag:s0] =	ssyncset.done $0x0  }
0x24a: {  	s2 =	simm.s32 @p1 $0x6;
	[sflag:s0] =	ssyncadd.s32 $0xFFFFE000  }
0x24b: {  	_ =	swait.ge [sflag:s2], $0x2000  }
0x24c: {  	s30 =	sld [smem:$0x7FA]  }
0x24d: {  	s31 =	sld [smem:$0x7FD];
	_ =	sdelay $0x1  }
0x24e: {  	s1 =	sadd.s32 $0x1, s30  }
0x24f: {  	p2 =	sne.s32 s1, s31  }
.Ltmp1:
0x250: {  	_ = 	snop;
	(pc) =	sbr.rel @p2 .LBB2_1-.Ltmp1, $3  }
0x251: {  	[sflag:s2] =	ssyncset.done $0x0  }
0x252: {  	[sflag:s2] =	ssyncadd.s32 $0xFFFFE000  }
0x253: {  	[bflag:$0x0] =	sbarrier.arrive $0xFFFF;
	_ =	sdelay $0x1  }
0x254: {  	_ =	sfence.sel $0x180000  }
0x255: {  	[bflag:$0x0] =	sbarrier.arrive $0xFFFF  }
0x256: {  	_ =	strace $0x90000047  }
0x257: {  	s0 =	stileid.u32;
	[bflag:$0x2] =	sbarrier.arrive $0xFFFF  }
0x258: {  	p0 =	sne.s32 s0, $0x0;
	s0 =	rddreg [dreg:$0x4]  }
0x259: {  	s0 =	sadd.s32 @!p0 $0x100000, s0  }
0x25a: {  	[sflag:s0] =	ssyncadd.tile.s32 @!p0 $0x1;
	_ =	shalt  }
.Lfunc_end2:
_tile_overlayer_lowered:
.L_overlay_start_2:
0x25b: {  	(tag) =	ssettag $0x2  }
0x25c: {  	s0 =	rddreg [dreg:$0x0];
	s2 =	stileid.u32  }
0x25d: {  	s1 =	rddreg [dreg:$0x1];
	p0 =	sne.s32 s2, $0x0  }
0x25e: {  	s3 =	rddreg [dreg:$0x2];
	[bflag:$0x3] =	sbarrier.arrive $0xFFFF;
	s2 =	simm.s32 @!p0 $0x1C07  }
0x25f: {  	[timem:s3], [sflag:s2] =	dma.local @!p0 [hbm:s0], s1  }
0x260: {  	s0 =	simm.s32 @!p0 $0x7  }
0x261: {  	_ =	swait.ge @!p0 [sflag:s0], s1  }
0x262: {  	s1 =	ssub.s32 @!p0 $0x0, s1;
	[sflag:s0] =	ssyncset.done @!p0 $0x0  }
0x263: {  	[sflag:s0] =	ssyncadd.s32 @!p0 s1  }
0x264: {  	[bflag:$0x3] =	sbarrier.arrive $0xFFFF  }
0x265: {  	_ =	shalt  }

</sc_bundles>
